<compile_context>
chip_gen: v7x
topology: tpu7x:2x2x1
jax: 0.10.2.dev20260603
libtpu: 0.0.44.dev20260713+nightly
codegen_flags: <defaults>
</compile_context>

<pallas_src>
import functools

import jax
import jax.numpy as jnp
from jax import lax
from jax.experimental import pallas as pl
from jax.experimental.pallas import tpu as pltpu
from jax.experimental.pallas import tpu_sc as plsc

NC = 2
NS = 16
NW = NC * NS
L = 16


def _rsqrt_newton(x):
    i = lax.bitcast_convert_type(x, jnp.int32)
    i = jnp.int32(0x5F3759DF) - (i >> 1)
    y = lax.bitcast_convert_type(i, jnp.float32)
    for _ in range(3):
        y = y * (1.5 - 0.5 * x * y * y)
    return y


def _build_sc_kernel(B, D, HIST):
    CB = B // NW
    G = CB // L
    DC = D // L
    mesh = plsc.VectorSubcoreMesh(core_axis_name="c", subcore_axis_name="s")
    f32 = jnp.float32
    i32 = jnp.int32

    out_type = (
        jax.ShapeDtypeStruct((B,), f32),
        jax.ShapeDtypeStruct((B,), f32),
        jax.ShapeDtypeStruct((B,), f32),
        jax.ShapeDtypeStruct((B,), f32),
        jax.ShapeDtypeStruct((B,), f32),
        jax.ShapeDtypeStruct((B,), f32),
        jax.ShapeDtypeStruct((B, D), f32),
        jax.ShapeDtypeStruct((B, D), f32),
        jax.ShapeDtypeStruct((B,), f32),
        jax.ShapeDtypeStruct((B,), f32),
        jax.ShapeDtypeStruct((B, D), f32),
        jax.ShapeDtypeStruct((B, D), f32),
    )
    scratch_types = [
        pltpu.VMEM((CB,), i32),
        pltpu.VMEM((CB,), i32),
        pltpu.VMEM((HIST, CB), i32),
        pltpu.VMEM((HIST, CB), i32),
        pltpu.VMEM((CB,), f32),
        pltpu.VMEM((CB,), f32),
        pltpu.VMEM((CB,), f32),
        pltpu.VMEM((CB,), f32),
        pltpu.VMEM((L,), f32),
        pltpu.VMEM((CB, D), f32),
        pltpu.VMEM((CB, D), f32),
        pltpu.VMEM((CB, D), f32),
        pltpu.VMEM((CB, D), f32),
        pltpu.VMEM((CB, D), f32),
        pltpu.VMEM((CB,), f32),
        pltpu.VMEM((CB,), f32),
        pltpu.VMEM((CB, D), f32),
        pltpu.VMEM((CB, D), f32),
        pltpu.VMEM((CB, D), f32),
        pltpu.VMEM((CB, D), f32),
        pltpu.VMEM((CB, D), f32),
        pltpu.VMEM((CB, D), f32),
        pltpu.VMEM((CB,), f32),
        pltpu.VMEM((CB,), f32),
        pltpu.VMEM((CB,), f32),
        pltpu.VMEM((CB,), f32),
        pltpu.VMEM((CB,), f32),
        pltpu.VMEM((CB,), f32),
        pltpu.SemaphoreType.DMA,
        pltpu.SemaphoreType.DMA,
        pltpu.SemaphoreType.DMA,
        pltpu.SemaphoreType.DMA,
        pltpu.SemaphoreType.DMA,
    ]

    @functools.partial(
        pl.kernel, out_type=out_type, mesh=mesh,
        scratch_types=scratch_types,
        compiler_params=pltpu.CompilerParams(needs_layout_passes=False,
                                             use_tc_tiling_on_sc=False))
    def sc_kernel(users_h, items_h, tw_h, rw_h, ninv_h, ntnv_h, nuri_h,
                  nutu_h, P_h, Q_h, W_h, Y_h, bu_h, bi_h, gb_h,
                  rate_o, link_o, bu_o, bi_o, fiu_o, ftu_o, p_o, q_o,
                  fui_o, ftup_o, yi_o, wu_o,
                  uidx, iidx, twv, rwv, ninv, ntnv, nuri, nutu, gbv,
                  pbuf, qbuf, wubuf, yibuf, wvbuf, bub, bib, accw, accy,
                  stw0, stw1, sty0, sty1, fiu, ftu, fui, ftup, ratev,
                  linkv, semrows, semw0, semw1, semy0, semy1):
        wid = lax.axis_index("s") * NC + lax.axis_index("c")
        base = wid * CB
        bsl = pl.ds(base, CB)

        pltpu.sync_copy(users_h.at[bsl], uidx)
        pltpu.sync_copy(items_h.at[bsl], iidx)
        pltpu.sync_copy(tw_h.at[wid], twv)
        pltpu.sync_copy(rw_h.at[wid], rwv)
        pltpu.sync_copy(ninv_h.at[bsl], ninv)
        pltpu.sync_copy(ntnv_h.at[bsl], ntnv)
        pltpu.sync_copy(nuri_h.at[bsl], nuri)
        pltpu.sync_copy(nutu_h.at[bsl], nutu)
        pltpu.sync_copy(gb_h, gbv)

        drows = [
            pltpu.async_copy(P_h.at[uidx], pbuf, semrows),
            pltpu.async_copy(Q_h.at[iidx], qbuf, semrows),
            pltpu.async_copy(W_h.at[uidx], wubuf, semrows),
            pltpu.async_copy(Y_h.at[iidx], yibuf, semrows),
            pltpu.async_copy(W_h.at[twv.at[0]], wvbuf, semrows),
            pltpu.async_copy(bu_h.at[uidx], bub, semrows),
            pltpu.async_copy(bi_h.at[iidx], bib, semrows),
        ]

        zero = jnp.zeros((L,), f32)

        @pl.loop(0, CB)
        def _zero(i):
            for c in range(DC):
                accw[i, pl.ds(c * L, L)] = zero
                accy[i, pl.ds(c * L, L)] = zero

        def fire(j, stw, semw, sty, semy):
            pltpu.async_copy(W_h.at[twv.at[j]], stw, semw)
            pltpu.async_copy(Y_h.at[rwv.at[j]], sty, semy)

        def wait(buf, sem):
            pltpu.make_async_copy(W_h.at[pl.ds(0, CB)], buf, sem).wait()

        def accum(st, acc):
            @pl.loop(0, CB)
            def _(i):
                for c in range(DC):
                    sl = pl.ds(c * L, L)
                    plsc.addupdate(acc.at[i, sl], st[i, sl])

        fire(0, stw0, semw0, sty0, semy0)

        @pl.loop(0, HIST // 2)
        def _hist(h):
            j = h * 2
            fire(j + 1, stw1, semw1, sty1, semy1)
            wait(stw0, semw0)
            wait(sty0, semy0)
            accum(stw0, accw)
            accum(sty0, accy)

            @pl.when(j + 2 < HIST)
            def _():
                fire(j + 2, stw0, semw0, sty0, semy0)

            wait(stw1, semw1)
            wait(sty1, semy1)
            accum(stw1, accw)
            accum(sty1, accy)

        for d in drows:
            d.wait()

        pltpu.sync_copy(pbuf, p_o.at[bsl])
        pltpu.sync_copy(qbuf, q_o.at[bsl])
        pltpu.sync_copy(wubuf, wu_o.at[bsl])
        pltpu.sync_copy(yibuf, yi_o.at[bsl])
        pltpu.sync_copy(bub, bu_o.at[bsl])
        pltpu.sync_copy(bib, bi_o.at[bsl])

        eps = 1e-8
        gb = gbv[...]

        @pl.loop(0, G)
        def _grp(g):
            s = g * L
            ssl = pl.ds(s, L)
            rows = s + lax.iota(i32, L)
            iu = jnp.minimum(_rsqrt_newton(ninv[ssl] + eps), 1.0)
            tu = jnp.minimum(_rsqrt_newton(ntnv[ssl] + eps), 1.0)
            ui = jnp.minimum(_rsqrt_newton(nuri[ssl] + eps), 1.0)
            tup = jnp.minimum(_rsqrt_newton(nutu[ssl] + eps), 1.0)
            fiu[ssl] = iu
            ftu[ssl] = tu
            fui[ssl] = ui
            ftup[ssl] = tup

            def dbody(d, carry):
                ar, al = carry
                dv = lax.broadcast(d, (L,))
                pd = plsc.load_gather(pbuf, [rows, dv])
                qd = plsc.load_gather(qbuf, [rows, dv])
                wd = plsc.load_gather(accw, [rows, dv])
                yd = plsc.load_gather(accy, [rows, dv])
                wvd = plsc.load_gather(wvbuf, [rows, dv])
                ur = pd + iu * yd + tu * wd
                return (ar + qd * ur, al + wvd * pd)

            z = jnp.zeros((L,), f32)
            ar, al = lax.fori_loop(0, D, dbody, (z, z))
            ratev[ssl] = ar + bub[ssl] + bib[ssl] + gb
            linkv[ssl] = al

        pltpu.sync_copy(ratev, rate_o.at[bsl])
        pltpu.sync_copy(linkv, link_o.at[bsl])
        pltpu.sync_copy(fiu, fiu_o.at[bsl])
        pltpu.sync_copy(ftu, ftu_o.at[bsl])
        pltpu.sync_copy(fui, fui_o.at[bsl])
        pltpu.sync_copy(ftup, ftup_o.at[bsl])

    return sc_kernel


def kernel(users, items, rated_items, items_nums, trusts, trusts_nums,
           user_rate_i_num, user_trust_u_num, P, Q, W, Y, B_u, B_i,
           global_bias):
    B = users.shape[0]
    HIST = trusts.shape[1]
    D = P.shape[1]
    CB = B // NW

    i32 = jnp.int32
    tw = jnp.swapaxes(trusts.astype(i32).T.reshape(HIST, NW, CB), 0, 1)
    rw = jnp.swapaxes(rated_items.astype(i32).T.reshape(HIST, NW, CB), 0, 1)
    gb16 = jnp.full((L,), global_bias, jnp.float32)

    sc = _build_sc_kernel(B, D, HIST)
    (rate, link, bu, bi, fiu, ftu, p, q, fui, ftup, yi, wu) = sc(
        users.astype(i32), items.astype(i32), tw, rw,
        items_nums, trusts_nums, user_rate_i_num, user_trust_u_num,
        P, Q, W, Y, B_u.reshape(-1), B_i.reshape(-1), gb16)

    col = lambda v: v.reshape(B, 1)
    return (col(rate), link, col(bu), col(bi), col(fiu), col(ftu), p, q,
            col(fui), col(ftup), yi, wu)

# --- scband reference (transcript-rebuilt; emitter-appended) ---
"""Pipeline reference for scband-svdppmodel-23776938951466 (READ-ONLY COPY).

The authoritative reference and input builder live on the scoring server;
editing this copy changes nothing except your own understanding.
"""

import jax, jax.numpy as jnp
import numpy as np

USER_NUM = 100000
ITEM_NUM = 100000
TOTAL_USER_NUM = 100000
D = 64
B = 4096
HIST = 50


def setup_inputs(seed: int = 0) -> dict:
    key = jax.random.key(seed)
    ks = jax.random.split(key, 16)
    users = jax.random.randint(ks[0], (B,), 0, USER_NUM)
    items = jax.random.randint(ks[1], (B,), 0, ITEM_NUM)
    rated_items = jax.random.randint(ks[2], (B, HIST), 0, ITEM_NUM)
    items_nums = jax.random.uniform(ks[3], (B,), dtype=jnp.float32) * HIST
    trusts = jax.random.randint(ks[4], (B, HIST), 0, TOTAL_USER_NUM)
    trusts_nums = jax.random.uniform(ks[5], (B,), dtype=jnp.float32) * HIST
    user_rate_i_num = jax.random.uniform(ks[6], (B,), dtype=jnp.float32) * HIST
    user_trust_u_num = jax.random.uniform(ks[7], (B,), dtype=jnp.float32) * HIST
    P = jax.random.normal(ks[8], (USER_NUM, D), dtype=jnp.float32) * 0.02
    Q = jax.random.normal(ks[9], (ITEM_NUM, D), dtype=jnp.float32) * 0.02
    W = (jax.random.normal(ks[10], (TOTAL_USER_NUM + 1, D), dtype=jnp.float32) * 0.02).at[TOTAL_USER_NUM].set(0.0)
    Y = (jax.random.normal(ks[11], (ITEM_NUM + 1, D), dtype=jnp.float32) * 0.02).at[ITEM_NUM].set(0.0)
    B_u = jax.random.normal(ks[12], (USER_NUM, 1), dtype=jnp.float32) * 0.02
    B_i = jax.random.normal(ks[13], (ITEM_NUM, 1), dtype=jnp.float32) * 0.02
    global_bias = jnp.array(0.0, dtype=jnp.float32)
    return {
        'users': users, 'items': items, 'rated_items': rated_items,
        'items_nums': items_nums, 'trusts': trusts, 'trusts_nums': trusts_nums,
        'user_rate_i_num': user_rate_i_num, 'user_trust_u_num': user_trust_u_num,
        'P': P, 'Q': Q, 'W': W, 'Y': Y, 'B_u': B_u, 'B_i': B_i,
        'global_bias': global_bias,
    }


def reference(users, items, rated_items, items_nums, trusts, trusts_nums,
              user_rate_i_num, user_trust_u_num, P, Q, W, Y, B_u, B_i, global_bias):
    eps = 1e-08
    I_u_factor = jnp.minimum(1.0 / jnp.sqrt(items_nums[:, None] + eps), 1.0)
    T_u_factor = jnp.minimum(1.0 / jnp.sqrt(trusts_nums[:, None] + eps), 1.0)
    p = jnp.take(P, users, axis=0)
    q = jnp.take(Q, items, axis=0)
    w = jnp.sum(jnp.take(W, trusts, axis=0), axis=1)
    y = jnp.sum(jnp.take(Y, rated_items, axis=0), axis=1)
    b_u = jnp.take(B_u, users, axis=0)
    b_i = jnp.take(B_i, items, axis=0)
    user_representation = p + I_u_factor * y + T_u_factor * w
    pred_rate = jnp.sum(q * user_representation, axis=1, keepdims=True) + b_u + b_i + global_bias
    w_v = jnp.take(W, trusts[:, 0], axis=0)
    pred_link = jnp.sum(w_v * p, axis=1)
    w_u = jnp.take(W, users, axis=0)
    y_i = jnp.take(Y, items, axis=0)
    U_i_factor = jnp.minimum(1.0 / jnp.sqrt(user_rate_i_num[:, None] + eps), 1.0)
    T_u_plus_factor = jnp.minimum(1.0 / jnp.sqrt(user_trust_u_num[:, None] + eps), 1.0)
    return (pred_rate, pred_link, b_u, b_i, I_u_factor, T_u_factor, p, q,
            U_i_factor, T_u_plus_factor, y_i, w_u)

if __name__ == "__main__":
    import jax
    _d = setup_inputs()
    print(jax.jit(kernel)(*tuple(_d.values())))

</pallas_src>

<mosaic_0001>
#map = affine_map<(d0, d1) -> (0)>
#map1 = affine_map<(d0, d1) -> (0, 0, 0)>
#map2 = affine_map<(d0, d1) -> (0, 0)>
module attributes {stable_mosaic.version = 14 : i64} {
  func.func @sc_kernel(%arg0: i32, %arg1: i32, %arg2: memref<4096xi32, #tpu.memory_space<hbm>>, %arg3: memref<4096xi32, #tpu.memory_space<hbm>>, %arg4: memref<32x50x128xi32, #tpu.memory_space<hbm>>, %arg5: memref<32x50x128xi32, #tpu.memory_space<hbm>>, %arg6: memref<4096xf32, #tpu.memory_space<hbm>>, %arg7: memref<4096xf32, #tpu.memory_space<hbm>>, %arg8: memref<4096xf32, #tpu.memory_space<hbm>>, %arg9: memref<4096xf32, #tpu.memory_space<hbm>>, %arg10: memref<100000x64xf32, #tpu.memory_space<hbm>>, %arg11: memref<100000x64xf32, #tpu.memory_space<hbm>>, %arg12: memref<100001x64xf32, #tpu.memory_space<hbm>>, %arg13: memref<100001x64xf32, #tpu.memory_space<hbm>>, %arg14: memref<100000xf32, #tpu.memory_space<hbm>>, %arg15: memref<100000xf32, #tpu.memory_space<hbm>>, %arg16: memref<16xf32, #tpu.memory_space<hbm>>, %arg17: memref<4096xf32, #tpu.memory_space<hbm>>, %arg18: memref<4096xf32, #tpu.memory_space<hbm>>, %arg19: memref<4096xf32, #tpu.memory_space<hbm>>, %arg20: memref<4096xf32, #tpu.memory_space<hbm>>, %arg21: memref<4096xf32, #tpu.memory_space<hbm>>, %arg22: memref<4096xf32, #tpu.memory_space<hbm>>, %arg23: memref<4096x64xf32, #tpu.memory_space<hbm>>, %arg24: memref<4096x64xf32, #tpu.memory_space<hbm>>, %arg25: memref<4096xf32, #tpu.memory_space<hbm>>, %arg26: memref<4096xf32, #tpu.memory_space<hbm>>, %arg27: memref<4096x64xf32, #tpu.memory_space<hbm>>, %arg28: memref<4096x64xf32, #tpu.memory_space<hbm>>, %arg29: memref<128xi32, #tpu.memory_space<vmem>>, %arg30: memref<128xi32, #tpu.memory_space<vmem>>, %arg31: memref<50x128xi32, #tpu.memory_space<vmem>>, %arg32: memref<50x128xi32, #tpu.memory_space<vmem>>, %arg33: memref<128xf32, #tpu.memory_space<vmem>>, %arg34: memref<128xf32, #tpu.memory_space<vmem>>, %arg35: memref<128xf32, #tpu.memory_space<vmem>>, %arg36: memref<128xf32, #tpu.memory_space<vmem>>, %arg37: memref<16xf32, #tpu.memory_space<vmem>>, %arg38: memref<128x64xf32, #tpu.memory_space<vmem>>, %arg39: memref<128x64xf32, #tpu.memory_space<vmem>>, %arg40: memref<128x64xf32, #tpu.memory_space<vmem>>, %arg41: memref<128x64xf32, #tpu.memory_space<vmem>>, %arg42: memref<128x64xf32, #tpu.memory_space<vmem>>, %arg43: memref<128xf32, #tpu.memory_space<vmem>>, %arg44: memref<128xf32, #tpu.memory_space<vmem>>, %arg45: memref<128x64xf32, #tpu.memory_space<vmem>>, %arg46: memref<128x64xf32, #tpu.memory_space<vmem>>, %arg47: memref<128x64xf32, #tpu.memory_space<vmem>>, %arg48: memref<128x64xf32, #tpu.memory_space<vmem>>, %arg49: memref<128x64xf32, #tpu.memory_space<vmem>>, %arg50: memref<128x64xf32, #tpu.memory_space<vmem>>, %arg51: memref<128xf32, #tpu.memory_space<vmem>>, %arg52: memref<128xf32, #tpu.memory_space<vmem>>, %arg53: memref<128xf32, #tpu.memory_space<vmem>>, %arg54: memref<128xf32, #tpu.memory_space<vmem>>, %arg55: memref<128xf32, #tpu.memory_space<vmem>>, %arg56: memref<128xf32, #tpu.memory_space<vmem>>, %arg57: memref<!tpu.dma_semaphore, #tpu.memory_space<semaphore_mem>>, %arg58: memref<!tpu.dma_semaphore, #tpu.memory_space<semaphore_mem>>, %arg59: memref<!tpu.dma_semaphore, #tpu.memory_space<semaphore_mem>>, %arg60: memref<!tpu.dma_semaphore, #tpu.memory_space<semaphore_mem>>, %arg61: memref<!tpu.dma_semaphore, #tpu.memory_space<semaphore_mem>>) attributes {dimension_semantics = [#tpu.dimension_semantics<core_parallel>, #tpu.dimension_semantics<subcore_parallel>], iteration_bounds = array<i64: 2, 16>, scalar_prefetch = 0 : i64, scratch_operands = 33 : i64, tpu.core_type = #tpu.core_type<sc_vector_subcore>, window_params = [{transform_indices = #map}, {transform_indices = #map}, {transform_indices = #map1}, {transform_indices = #map1}, {transform_indices = #map}, {transform_indices = #map}, {transform_indices = #map}, {transform_indices = #map}, {transform_indices = #map2}, {transform_indices = #map2}, {transform_indices = #map2}, {transform_indices = #map2}, {transform_indices = #map}, {transform_indices = #map}, {transform_indices = #map}, {transform_indices = #map}, {transform_indices = #map}, {transform_indices = #map}, {transform_indices = #map}, {transform_indices = #map}, {transform_indices = #map}, {transform_indices = #map2}, {transform_indices = #map2}, {transform_indices = #map}, {transform_indices = #map}, {transform_indices = #map2}, {transform_indices = #map2}]} {
    %mul3A = arith.constant 2 : i32
    %mul3A_0 = arith.muli %arg1, %mul3A : i32
    %add3A = arith.addi %mul3A_0, %arg0 : i32
    %mul3A_1 = arith.constant 128 : i32
    %mul3A_2 = arith.muli %add3A, %mul3A_1 : i32
    "tpu.region"() ({
      %run_scoped3A = tpu.sem_alloc : memref<!tpu.dma_semaphore, #tpu.memory_space<semaphore_mem>>
      %dma_start3A_77 = tpu.memref_slice %arg2[%mul3A_2] : memref<4096xi32, #tpu.memory_space<hbm>> -> memref<128xi32, #tpu.memory_space<hbm>>
      %dma_start3A_78 = tpu.memref_slice %arg2[%mul3A_2] : memref<4096xi32, #tpu.memory_space<hbm>> -> memref<128xi32, #tpu.memory_space<hbm>>
      tpu.enqueue_dma source(%dma_start3A_78 : memref<128xi32, #tpu.memory_space<hbm>>) target(%arg29 : memref<128xi32, #tpu.memory_space<vmem>>) target_semaphore(%run_scoped3A : memref<!tpu.dma_semaphore, #tpu.memory_space<semaphore_mem>>)
      %dma_wait3A_79 = tpu.memref_slice %arg2[%mul3A_2] : memref<4096xi32, #tpu.memory_space<hbm>> -> memref<128xi32, #tpu.memory_space<hbm>>
      %dma_wait3A_80 = tpu.memref_slice %arg2[%mul3A_2] : memref<4096xi32, #tpu.memory_space<hbm>> -> memref<128xi32, #tpu.memory_space<hbm>>
      tpu.wait_dma2 semaphore(%run_scoped3A : memref<!tpu.dma_semaphore, #tpu.memory_space<semaphore_mem>>) src(%dma_wait3A_80 : memref<128xi32, #tpu.memory_space<hbm>>) dst(%arg29 : memref<128xi32, #tpu.memory_space<vmem>>)
      tpu.yield
    }) : () -> ()
    "tpu.region"() ({
      %run_scoped3A = tpu.sem_alloc : memref<!tpu.dma_semaphore, #tpu.memory_space<semaphore_mem>>
      %dma_start3A_77 = tpu.memref_slice %arg3[%mul3A_2] : memref<4096xi32, #tpu.memory_space<hbm>> -> memref<128xi32, #tpu.memory_space<hbm>>
      %dma_start3A_78 = tpu.memref_slice %arg3[%mul3A_2] : memref<4096xi32, #tpu.memory_space<hbm>> -> memref<128xi32, #tpu.memory_space<hbm>>
      tpu.enqueue_dma source(%dma_start3A_78 : memref<128xi32, #tpu.memory_space<hbm>>) target(%arg30 : memref<128xi32, #tpu.memory_space<vmem>>) target_semaphore(%run_scoped3A : memref<!tpu.dma_semaphore, #tpu.memory_space<semaphore_mem>>)
      %dma_wait3A_79 = tpu.memref_slice %arg3[%mul3A_2] : memref<4096xi32, #tpu.memory_space<hbm>> -> memref<128xi32, #tpu.memory_space<hbm>>
      %dma_wait3A_80 = tpu.memref_slice %arg3[%mul3A_2] : memref<4096xi32, #tpu.memory_space<hbm>> -> memref<128xi32, #tpu.memory_space<hbm>>
      tpu.wait_dma2 semaphore(%run_scoped3A : memref<!tpu.dma_semaphore, #tpu.memory_space<semaphore_mem>>) src(%dma_wait3A_80 : memref<128xi32, #tpu.memory_space<hbm>>) dst(%arg30 : memref<128xi32, #tpu.memory_space<vmem>>)
      tpu.yield
    }) : () -> ()
    "tpu.region"() ({
      %run_scoped3A = tpu.sem_alloc : memref<!tpu.dma_semaphore, #tpu.memory_space<semaphore_mem>>
      %dma_start3A_77 = arith.constant 0 : i32
      %dma_start3A_78 = arith.constant 0 : i32
      %dma_start3A_79 = tpu.memref_slice %arg4[%add3A, %dma_start3A_77, %dma_start3A_78] : memref<32x50x128xi32, #tpu.memory_space<hbm>> -> memref<1x50x128xi32, #tpu.memory_space<hbm>>
      %dma_start3A_80 = tpu.memref_squeeze %dma_start3A_79 : memref<1x50x128xi32, #tpu.memory_space<hbm>> -> memref<50x128xi32, #tpu.memory_space<hbm>>
      %dma_start3A_81 = arith.constant 0 : i32
      %dma_start3A_82 = arith.constant 0 : i32
      %dma_start3A_83 = tpu.memref_slice %arg4[%add3A, %dma_start3A_81, %dma_start3A_82] : memref<32x50x128xi32, #tpu.memory_space<hbm>> -> memref<1x50x128xi32, #tpu.memory_space<hbm>>
      %dma_start3A_84 = tpu.memref_squeeze %dma_start3A_83 : memref<1x50x128xi32, #tpu.memory_space<hbm>> -> memref<50x128xi32, #tpu.memory_space<hbm>>
      tpu.enqueue_dma source(%dma_start3A_84 : memref<50x128xi32, #tpu.memory_space<hbm>>) target(%arg31 : memref<50x128xi32, #tpu.memory_space<vmem>>) target_semaphore(%run_scoped3A : memref<!tpu.dma_semaphore, #tpu.memory_space<semaphore_mem>>)
      %dma_wait3A_85 = arith.constant 0 : i32
      %dma_wait3A_86 = arith.constant 0 : i32
      %dma_wait3A_87 = tpu.memref_slice %arg4[%add3A, %dma_wait3A_85, %dma_wait3A_86] : memref<32x50x128xi32, #tpu.memory_space<hbm>> -> memref<1x50x128xi32, #tpu.memory_space<hbm>>
      %dma_wait3A_88 = tpu.memref_squeeze %dma_wait3A_87 : memref<1x50x128xi32, #tpu.memory_space<hbm>> -> memref<50x128xi32, #tpu.memory_space<hbm>>
      %dma_wait3A_89 = arith.constant 0 : i32
      %dma_wait3A_90 = arith.constant 0 : i32
      %dma_wait3A_91 = tpu.memref_slice %arg4[%add3A, %dma_wait3A_89, %dma_wait3A_90] : memref<32x50x128xi32, #tpu.memory_space<hbm>> -> memref<1x50x128xi32, #tpu.memory_space<hbm>>
      %dma_wait3A_92 = tpu.memref_squeeze %dma_wait3A_91 : memref<1x50x128xi32, #tpu.memory_space<hbm>> -> memref<50x128xi32, #tpu.memory_space<hbm>>
      tpu.wait_dma2 semaphore(%run_scoped3A : memref<!tpu.dma_semaphore, #tpu.memory_space<semaphore_mem>>) src(%dma_wait3A_92 : memref<50x128xi32, #tpu.memory_space<hbm>>) dst(%arg31 : memref<50x128xi32, #tpu.memory_space<vmem>>)
      tpu.yield
    }) : () -> ()
    "tpu.region"() ({
      %run_scoped3A = tpu.sem_alloc : memref<!tpu.dma_semaphore, #tpu.memory_space<semaphore_mem>>
      %dma_start3A_77 = arith.constant 0 : i32
      %dma_start3A_78 = arith.constant 0 : i32
      %dma_start3A_79 = tpu.memref_slice %arg5[%add3A, %dma_start3A_77, %dma_start3A_78] : memref<32x50x128xi32, #tpu.memory_space<hbm>> -> memref<1x50x128xi32, #tpu.memory_space<hbm>>
      %dma_start3A_80 = tpu.memref_squeeze %dma_start3A_79 : memref<1x50x128xi32, #tpu.memory_space<hbm>> -> memref<50x128xi32, #tpu.memory_space<hbm>>
      %dma_start3A_81 = arith.constant 0 : i32
      %dma_start3A_82 = arith.constant 0 : i32
      %dma_start3A_83 = tpu.memref_slice %arg5[%add3A, %dma_start3A_81, %dma_start3A_82] : memref<32x50x128xi32, #tpu.memory_space<hbm>> -> memref<1x50x128xi32, #tpu.memory_space<hbm>>
      %dma_start3A_84 = tpu.memref_squeeze %dma_start3A_83 : memref<1x50x128xi32, #tpu.memory_space<hbm>> -> memref<50x128xi32, #tpu.memory_space<hbm>>
      tpu.enqueue_dma source(%dma_start3A_84 : memref<50x128xi32, #tpu.memory_space<hbm>>) target(%arg32 : memref<50x128xi32, #tpu.memory_space<vmem>>) target_semaphore(%run_scoped3A : memref<!tpu.dma_semaphore, #tpu.memory_space<semaphore_mem>>)
      %dma_wait3A_85 = arith.constant 0 : i32
      %dma_wait3A_86 = arith.constant 0 : i32
      %dma_wait3A_87 = tpu.memref_slice %arg5[%add3A, %dma_wait3A_85, %dma_wait3A_86] : memref<32x50x128xi32, #tpu.memory_space<hbm>> -> memref<1x50x128xi32, #tpu.memory_space<hbm>>
      %dma_wait3A_88 = tpu.memref_squeeze %dma_wait3A_87 : memref<1x50x128xi32, #tpu.memory_space<hbm>> -> memref<50x128xi32, #tpu.memory_space<hbm>>
      %dma_wait3A_89 = arith.constant 0 : i32
      %dma_wait3A_90 = arith.constant 0 : i32
      %dma_wait3A_91 = tpu.memref_slice %arg5[%add3A, %dma_wait3A_89, %dma_wait3A_90] : memref<32x50x128xi32, #tpu.memory_space<hbm>> -> memref<1x50x128xi32, #tpu.memory_space<hbm>>
      %dma_wait3A_92 = tpu.memref_squeeze %dma_wait3A_91 : memref<1x50x128xi32, #tpu.memory_space<hbm>> -> memref<50x128xi32, #tpu.memory_space<hbm>>
      tpu.wait_dma2 semaphore(%run_scoped3A : memref<!tpu.dma_semaphore, #tpu.memory_space<semaphore_mem>>) src(%dma_wait3A_92 : memref<50x128xi32, #tpu.memory_space<hbm>>) dst(%arg32 : memref<50x128xi32, #tpu.memory_space<vmem>>)
      tpu.yield
    }) : () -> ()
    "tpu.region"() ({
      %run_scoped3A = tpu.sem_alloc : memref<!tpu.dma_semaphore, #tpu.memory_space<semaphore_mem>>
      %dma_start3A_77 = tpu.memref_slice %arg6[%mul3A_2] : memref<4096xf32, #tpu.memory_space<hbm>> -> memref<128xf32, #tpu.memory_space<hbm>>
      %dma_start3A_78 = tpu.memref_slice %arg6[%mul3A_2] : memref<4096xf32, #tpu.memory_space<hbm>> -> memref<128xf32, #tpu.memory_space<hbm>>
      tpu.enqueue_dma source(%dma_start3A_78 : memref<128xf32, #tpu.memory_space<hbm>>) target(%arg33 : memref<128xf32, #tpu.memory_space<vmem>>) target_semaphore(%run_scoped3A : memref<!tpu.dma_semaphore, #tpu.memory_space<semaphore_mem>>)
      %dma_wait3A_79 = tpu.memref_slice %arg6[%mul3A_2] : memref<4096xf32, #tpu.memory_space<hbm>> -> memref<128xf32, #tpu.memory_space<hbm>>
      %dma_wait3A_80 = tpu.memref_slice %arg6[%mul3A_2] : memref<4096xf32, #tpu.memory_space<hbm>> -> memref<128xf32, #tpu.memory_space<hbm>>
      tpu.wait_dma2 semaphore(%run_scoped3A : memref<!tpu.dma_semaphore, #tpu.memory_space<semaphore_mem>>) src(%dma_wait3A_80 : memref<128xf32, #tpu.memory_space<hbm>>) dst(%arg33 : memref<128xf32, #tpu.memory_space<vmem>>)
      tpu.yield
    }) : () -> ()
    "tpu.region"() ({
      %run_scoped3A = tpu.sem_alloc : memref<!tpu.dma_semaphore, #tpu.memory_space<semaphore_mem>>
      %dma_start3A_77 = tpu.memref_slice %arg7[%mul3A_2] : memref<4096xf32, #tpu.memory_space<hbm>> -> memref<128xf32, #tpu.memory_space<hbm>>
      %dma_start3A_78 = tpu.memref_slice %arg7[%mul3A_2] : memref<4096xf32, #tpu.memory_space<hbm>> -> memref<128xf32, #tpu.memory_space<hbm>>
      tpu.enqueue_dma source(%dma_start3A_78 : memref<128xf32, #tpu.memory_space<hbm>>) target(%arg34 : memref<128xf32, #tpu.memory_space<vmem>>) target_semaphore(%run_scoped3A : memref<!tpu.dma_semaphore, #tpu.memory_space<semaphore_mem>>)
      %dma_wait3A_79 = tpu.memref_slice %arg7[%mul3A_2] : memref<4096xf32, #tpu.memory_space<hbm>> -> memref<128xf32, #tpu.memory_space<hbm>>
      %dma_wait3A_80 = tpu.memref_slice %arg7[%mul3A_2] : memref<4096xf32, #tpu.memory_space<hbm>> -> memref<128xf32, #tpu.memory_space<hbm>>
      tpu.wait_dma2 semaphore(%run_scoped3A : memref<!tpu.dma_semaphore, #tpu.memory_space<semaphore_mem>>) src(%dma_wait3A_80 : memref<128xf32, #tpu.memory_space<hbm>>) dst(%arg34 : memref<128xf32, #tpu.memory_space<vmem>>)
      tpu.yield
    }) : () -> ()
    "tpu.region"() ({
      %run_scoped3A = tpu.sem_alloc : memref<!tpu.dma_semaphore, #tpu.memory_space<semaphore_mem>>
      %dma_start3A_77 = tpu.memref_slice %arg8[%mul3A_2] : memref<4096xf32, #tpu.memory_space<hbm>> -> memref<128xf32, #tpu.memory_space<hbm>>
      %dma_start3A_78 = tpu.memref_slice %arg8[%mul3A_2] : memref<4096xf32, #tpu.memory_space<hbm>> -> memref<128xf32, #tpu.memory_space<hbm>>
      tpu.enqueue_dma source(%dma_start3A_78 : memref<128xf32, #tpu.memory_space<hbm>>) target(%arg35 : memref<128xf32, #tpu.memory_space<vmem>>) target_semaphore(%run_scoped3A : memref<!tpu.dma_semaphore, #tpu.memory_space<semaphore_mem>>)
      %dma_wait3A_79 = tpu.memref_slice %arg8[%mul3A_2] : memref<4096xf32, #tpu.memory_space<hbm>> -> memref<128xf32, #tpu.memory_space<hbm>>
      %dma_wait3A_80 = tpu.memref_slice %arg8[%mul3A_2] : memref<4096xf32, #tpu.memory_space<hbm>> -> memref<128xf32, #tpu.memory_space<hbm>>
      tpu.wait_dma2 semaphore(%run_scoped3A : memref<!tpu.dma_semaphore, #tpu.memory_space<semaphore_mem>>) src(%dma_wait3A_80 : memref<128xf32, #tpu.memory_space<hbm>>) dst(%arg35 : memref<128xf32, #tpu.memory_space<vmem>>)
      tpu.yield
    }) : () -> ()
    "tpu.region"() ({
      %run_scoped3A = tpu.sem_alloc : memref<!tpu.dma_semaphore, #tpu.memory_space<semaphore_mem>>
      %dma_start3A_77 = tpu.memref_slice %arg9[%mul3A_2] : memref<4096xf32, #tpu.memory_space<hbm>> -> memref<128xf32, #tpu.memory_space<hbm>>
      %dma_start3A_78 = tpu.memref_slice %arg9[%mul3A_2] : memref<4096xf32, #tpu.memory_space<hbm>> -> memref<128xf32, #tpu.memory_space<hbm>>
      tpu.enqueue_dma source(%dma_start3A_78 : memref<128xf32, #tpu.memory_space<hbm>>) target(%arg36 : memref<128xf32, #tpu.memory_space<vmem>>) target_semaphore(%run_scoped3A : memref<!tpu.dma_semaphore, #tpu.memory_space<semaphore_mem>>)
      %dma_wait3A_79 = tpu.memref_slice %arg9[%mul3A_2] : memref<4096xf32, #tpu.memory_space<hbm>> -> memref<128xf32, #tpu.memory_space<hbm>>
      %dma_wait3A_80 = tpu.memref_slice %arg9[%mul3A_2] : memref<4096xf32, #tpu.memory_space<hbm>> -> memref<128xf32, #tpu.memory_space<hbm>>
      tpu.wait_dma2 semaphore(%run_scoped3A : memref<!tpu.dma_semaphore, #tpu.memory_space<semaphore_mem>>) src(%dma_wait3A_80 : memref<128xf32, #tpu.memory_space<hbm>>) dst(%arg36 : memref<128xf32, #tpu.memory_space<vmem>>)
      tpu.yield
    }) : () -> ()
    "tpu.region"() ({
      %run_scoped3A = tpu.sem_alloc : memref<!tpu.dma_semaphore, #tpu.memory_space<semaphore_mem>>
      tpu.enqueue_dma source(%arg16 : memref<16xf32, #tpu.memory_space<hbm>>) target(%arg37 : memref<16xf32, #tpu.memory_space<vmem>>) target_semaphore(%run_scoped3A : memref<!tpu.dma_semaphore, #tpu.memory_space<semaphore_mem>>)
      tpu.wait_dma2 semaphore(%run_scoped3A : memref<!tpu.dma_semaphore, #tpu.memory_space<semaphore_mem>>) src(%arg16 : memref<16xf32, #tpu.memory_space<hbm>>) dst(%arg37 : memref<16xf32, #tpu.memory_space<vmem>>)
      tpu.yield
    }) : () -> ()
    %dma_start3A = arith.constant 0 : i32
    %dma_start3A_3 = arith.constant 0 : i32
    %dma_start3A_4 = tpu.memref_slice %arg10[%dma_start3A, %dma_start3A_3] : memref<100000x64xf32, #tpu.memory_space<hbm>> -> memref<100000x64xf32, #tpu.memory_space<hbm>>
    tpu.enqueue_indirect_dma source(%dma_start3A_4 : memref<100000x64xf32, #tpu.memory_space<hbm>>) target(%arg38 : memref<128x64xf32, #tpu.memory_space<vmem>>) offsets(%arg29 : memref<128xi32, #tpu.memory_space<vmem>>) semaphore(%arg57 : memref<!tpu.dma_semaphore, #tpu.memory_space<semaphore_mem>>)
    %dma_start3A_5 = arith.constant 0 : i32
    %dma_start3A_6 = arith.constant 0 : i32
    %dma_start3A_7 = tpu.memref_slice %arg11[%dma_start3A_5, %dma_start3A_6] : memref<100000x64xf32, #tpu.memory_space<hbm>> -> memref<100000x64xf32, #tpu.memory_space<hbm>>
    tpu.enqueue_indirect_dma source(%dma_start3A_7 : memref<100000x64xf32, #tpu.memory_space<hbm>>) target(%arg39 : memref<128x64xf32, #tpu.memory_space<vmem>>) offsets(%arg30 : memref<128xi32, #tpu.memory_space<vmem>>) semaphore(%arg57 : memref<!tpu.dma_semaphore, #tpu.memory_space<semaphore_mem>>)
    %dma_start3A_8 = arith.constant 0 : i32
    %dma_start3A_9 = arith.constant 0 : i32
    %dma_start3A_10 = tpu.memref_slice %arg12[%dma_start3A_8, %dma_start3A_9] : memref<100001x64xf32, #tpu.memory_space<hbm>> -> memref<100001x64xf32, #tpu.memory_space<hbm>>
    tpu.enqueue_indirect_dma source(%dma_start3A_10 : memref<100001x64xf32, #tpu.memory_space<hbm>>) target(%arg40 : memref<128x64xf32, #tpu.memory_space<vmem>>) offsets(%arg29 : memref<128xi32, #tpu.memory_space<vmem>>) semaphore(%arg57 : memref<!tpu.dma_semaphore, #tpu.memory_space<semaphore_mem>>)
    %dma_start3A_11 = arith.constant 0 : i32
    %dma_start3A_12 = arith.constant 0 : i32
    %dma_start3A_13 = tpu.memref_slice %arg13[%dma_start3A_11, %dma_start3A_12] : memref<100001x64xf32, #tpu.memory_space<hbm>> -> memref<100001x64xf32, #tpu.memory_space<hbm>>
    tpu.enqueue_indirect_dma source(%dma_start3A_13 : memref<100001x64xf32, #tpu.memory_space<hbm>>) target(%arg41 : memref<128x64xf32, #tpu.memory_space<vmem>>) offsets(%arg30 : memref<128xi32, #tpu.memory_space<vmem>>) semaphore(%arg57 : memref<!tpu.dma_semaphore, #tpu.memory_space<semaphore_mem>>)
    %dma_start3A_14 = arith.constant 0 : i32
    %dma_start3A_15 = arith.constant 0 : i32
    %dma_start3A_16 = tpu.memref_slice %arg31[%dma_start3A_14, %dma_start3A_15] : memref<50x128xi32, #tpu.memory_space<vmem>> -> memref<1x128xi32, #tpu.memory_space<vmem>>
    %dma_start3A_17 = tpu.memref_squeeze %dma_start3A_16 : memref<1x128xi32, #tpu.memory_space<vmem>> -> memref<128xi32, #tpu.memory_space<vmem>>
    %dma_start3A_18 = arith.constant 0 : i32
    %dma_start3A_19 = arith.constant 0 : i32
    %dma_start3A_20 = tpu.memref_slice %arg12[%dma_start3A_18, %dma_start3A_19] : memref<100001x64xf32, #tpu.memory_space<hbm>> -> memref<100001x64xf32, #tpu.memory_space<hbm>>
    tpu.enqueue_indirect_dma source(%dma_start3A_20 : memref<100001x64xf32, #tpu.memory_space<hbm>>) target(%arg42 : memref<128x64xf32, #tpu.memory_space<vmem>>) offsets(%dma_start3A_17 : memref<128xi32, #tpu.memory_space<vmem>>) semaphore(%arg57 : memref<!tpu.dma_semaphore, #tpu.memory_space<semaphore_mem>>)
    %dma_start3A_21 = arith.constant 0 : i32
    %dma_start3A_22 = tpu.memref_slice %arg14[%dma_start3A_21] : memref<100000xf32, #tpu.memory_space<hbm>> -> memref<100000xf32, #tpu.memory_space<hbm>>
    tpu.enqueue_indirect_dma source(%dma_start3A_22 : memref<100000xf32, #tpu.memory_space<hbm>>) target(%arg43 : memref<128xf32, #tpu.memory_space<vmem>>) offsets(%arg29 : memref<128xi32, #tpu.memory_space<vmem>>) semaphore(%arg57 : memref<!tpu.dma_semaphore, #tpu.memory_space<semaphore_mem>>)
    %dma_start3A_23 = arith.constant 0 : i32
    %dma_start3A_24 = tpu.memref_slice %arg15[%dma_start3A_23] : memref<100000xf32, #tpu.memory_space<hbm>> -> memref<100000xf32, #tpu.memory_space<hbm>>
    tpu.enqueue_indirect_dma source(%dma_start3A_24 : memref<100000xf32, #tpu.memory_space<hbm>>) target(%arg44 : memref<128xf32, #tpu.memory_space<vmem>>) offsets(%arg30 : memref<128xi32, #tpu.memory_space<vmem>>) semaphore(%arg57 : memref<!tpu.dma_semaphore, #tpu.memory_space<semaphore_mem>>)
    %broadcast_in_dim3A = arith.constant 0.000000e+00 : f32
    %broadcast_in_dim3A_25 = vector.broadcast %broadcast_in_dim3A : f32 to vector<16xf32>
    %scan3A = arith.constant 0 : i32
    %scan3A_26 = arith.constant 128 : i32
    %scan3A_27 = arith.addi %scan3A, %scan3A_26 : i32
    %scan3A_28 = arith.constant 1 : i32
    scf.for %scan3A_77 = %scan3A to %scan3A_27 step %scan3A_28  : i32 {
      %mul3A_78 = arith.constant 1 : i32
      %mul3A_79 = arith.muli %scan3A_77, %mul3A_78 : i32
      %add3A_80 = arith.constant 0 : i32
      %add3A_81 = arith.addi %add3A_80, %mul3A_79 : i32
      %swap3A = arith.index_cast %add3A_81 : i32 to index
      %swap3A_82 = arith.constant 0 : index
      %swap3A_83 = tpu.vector_load %arg45[%swap3A, %swap3A_82] {strides = array<i32>} : memref<128x64xf32, #tpu.memory_space<vmem>>, vector<16xf32>,
      tpu.vector_store %arg45[%swap3A, %swap3A_82], %broadcast_in_dim3A_25 {strides = array<i32>} : memref<128x64xf32, #tpu.memory_space<vmem>>, vector<16xf32>,
      %swap3A_84 = arith.index_cast %add3A_81 : i32 to index
      %swap3A_85 = arith.constant 0 : index
      %swap3A_86 = tpu.vector_load %arg46[%swap3A_84, %swap3A_85] {strides = array<i32>} : memref<128x64xf32, #tpu.memory_space<vmem>>, vector<16xf32>,
      tpu.vector_store %arg46[%swap3A_84, %swap3A_85], %broadcast_in_dim3A_25 {strides = array<i32>} : memref<128x64xf32, #tpu.memory_space<vmem>>, vector<16xf32>,
      %swap3A_87 = arith.index_cast %add3A_81 : i32 to index
      %swap3A_88 = arith.constant 16 : index
      %swap3A_89 = tpu.vector_load %arg45[%swap3A_87, %swap3A_88] {strides = array<i32>} : memref<128x64xf32, #tpu.memory_space<vmem>>, vector<16xf32>,
      tpu.vector_store %arg45[%swap3A_87, %swap3A_88], %broadcast_in_dim3A_25 {strides = array<i32>} : memref<128x64xf32, #tpu.memory_space<vmem>>, vector<16xf32>,
      %swap3A_90 = arith.index_cast %add3A_81 : i32 to index
      %swap3A_91 = arith.constant 16 : index
      %swap3A_92 = tpu.vector_load %arg46[%swap3A_90, %swap3A_91] {strides = array<i32>} : memref<128x64xf32, #tpu.memory_space<vmem>>, vector<16xf32>,
      tpu.vector_store %arg46[%swap3A_90, %swap3A_91], %broadcast_in_dim3A_25 {strides = array<i32>} : memref<128x64xf32, #tpu.memory_space<vmem>>, vector<16xf32>,
      %swap3A_93 = arith.index_cast %add3A_81 : i32 to index
      %swap3A_94 = arith.constant 32 : index
      %swap3A_95 = tpu.vector_load %arg45[%swap3A_93, %swap3A_94] {strides = array<i32>} : memref<128x64xf32, #tpu.memory_space<vmem>>, vector<16xf32>,
      tpu.vector_store %arg45[%swap3A_93, %swap3A_94], %broadcast_in_dim3A_25 {strides = array<i32>} : memref<128x64xf32, #tpu.memory_space<vmem>>, vector<16xf32>,
      %swap3A_96 = arith.index_cast %add3A_81 : i32 to index
      %swap3A_97 = arith.constant 32 : index
      %swap3A_98 = tpu.vector_load %arg46[%swap3A_96, %swap3A_97] {strides = array<i32>} : memref<128x64xf32, #tpu.memory_space<vmem>>, vector<16xf32>,
      tpu.vector_store %arg46[%swap3A_96, %swap3A_97], %broadcast_in_dim3A_25 {strides = array<i32>} : memref<128x64xf32, #tpu.memory_space<vmem>>, vector<16xf32>,
      %swap3A_99 = arith.index_cast %add3A_81 : i32 to index
      %swap3A_100 = arith.constant 48 : index
      %swap3A_101 = tpu.vector_load %arg45[%swap3A_99, %swap3A_100] {strides = array<i32>} : memref<128x64xf32, #tpu.memory_space<vmem>>, vector<16xf32>,
      tpu.vector_store %arg45[%swap3A_99, %swap3A_100], %broadcast_in_dim3A_25 {strides = array<i32>} : memref<128x64xf32, #tpu.memory_space<vmem>>, vector<16xf32>,
      %swap3A_102 = arith.index_cast %add3A_81 : i32 to index
      %swap3A_103 = arith.constant 48 : index
      %swap3A_104 = tpu.vector_load %arg46[%swap3A_102, %swap3A_103] {strides = array<i32>} : memref<128x64xf32, #tpu.memory_space<vmem>>, vector<16xf32>,
      tpu.vector_store %arg46[%swap3A_102, %swap3A_103], %broadcast_in_dim3A_25 {strides = array<i32>} : memref<128x64xf32, #tpu.memory_space<vmem>>, vector<16xf32>,
    }
    %scan3A_29 = arith.constant 128 : i32
    %dma_start3A_30 = arith.constant 0 : i32
    %dma_start3A_31 = arith.constant 0 : i32
    %dma_start3A_32 = tpu.memref_slice %arg31[%dma_start3A_30, %dma_start3A_31] : memref<50x128xi32, #tpu.memory_space<vmem>> -> memref<1x128xi32, #tpu.memory_space<vmem>>
    %dma_start3A_33 = tpu.memref_squeeze %dma_start3A_32 : memref<1x128xi32, #tpu.memory_space<vmem>> -> memref<128xi32, #tpu.memory_space<vmem>>
    %dma_start3A_34 = arith.constant 0 : i32
    %dma_start3A_35 = arith.constant 0 : i32
    %dma_start3A_36 = tpu.memref_slice %arg12[%dma_start3A_34, %dma_start3A_35] : memref<100001x64xf32, #tpu.memory_space<hbm>> -> memref<100001x64xf32, #tpu.memory_space<hbm>>
    tpu.enqueue_indirect_dma source(%dma_start3A_36 : memref<100001x64xf32, #tpu.memory_space<hbm>>) target(%arg47 : memref<128x64xf32, #tpu.memory_space<vmem>>) offsets(%dma_start3A_33 : memref<128xi32, #tpu.memory_space<vmem>>) semaphore(%arg58 : memref<!tpu.dma_semaphore, #tpu.memory_space<semaphore_mem>>)
    %dma_start3A_37 = arith.constant 0 : i32
    %dma_start3A_38 = arith.constant 0 : i32
    %dma_start3A_39 = tpu.memref_slice %arg32[%dma_start3A_37, %dma_start3A_38] : memref<50x128xi32, #tpu.memory_space<vmem>> -> memref<1x128xi32, #tpu.memory_space<vmem>>
    %dma_start3A_40 = tpu.memref_squeeze %dma_start3A_39 : memref<1x128xi32, #tpu.memory_space<vmem>> -> memref<128xi32, #tpu.memory_space<vmem>>
    %dma_start3A_41 = arith.constant 0 : i32
    %dma_start3A_42 = arith.constant 0 : i32
    %dma_start3A_43 = tpu.memref_slice %arg13[%dma_start3A_41, %dma_start3A_42] : memref<100001x64xf32, #tpu.memory_space<hbm>> -> memref<100001x64xf32, #tpu.memory_space<hbm>>
    tpu.enqueue_indirect_dma source(%dma_start3A_43 : memref<100001x64xf32, #tpu.memory_space<hbm>>) target(%arg49 : memref<128x64xf32, #tpu.memory_space<vmem>>) offsets(%dma_start3A_40 : memref<128xi32, #tpu.memory_space<vmem>>) semaphore(%arg60 : memref<!tpu.dma_semaphore, #tpu.memory_space<semaphore_mem>>)
    %scan3A_44 = arith.constant 0 : i32
    %scan3A_45 = arith.constant 25 : i32
    %scan3A_46 = arith.addi %scan3A_44, %scan3A_45 : i32
    %scan3A_47 = arith.constant 1 : i32
    scf.for %scan3A_77 = %scan3A_44 to %scan3A_46 step %scan3A_47  : i32 {
      %mul3A_78 = arith.constant 1 : i32
      %mul3A_79 = arith.muli %scan3A_77, %mul3A_78 : i32
      %add3A_80 = arith.constant 0 : i32
      %add3A_81 = arith.addi %add3A_80, %mul3A_79 : i32
      %mul3A_82 = arith.constant 2 : i32
      %mul3A_83 = arith.muli %add3A_81, %mul3A_82 : i32
      %add3A_84 = arith.constant 1 : i32
      %add3A_85 = arith.addi %mul3A_83, %add3A_84 : i32
      %dma_start3A_86 = arith.constant 0 : i32
      %dma_start3A_87 = tpu.memref_slice %arg31[%add3A_85, %dma_start3A_86] : memref<50x128xi32, #tpu.memory_space<vmem>> -> memref<1x128xi32, #tpu.memory_space<vmem>>
      %dma_start3A_88 = tpu.memref_squeeze %dma_start3A_87 : memref<1x128xi32, #tpu.memory_space<vmem>> -> memref<128xi32, #tpu.memory_space<vmem>>
      %dma_start3A_89 = arith.constant 0 : i32
      %dma_start3A_90 = arith.constant 0 : i32
      %dma_start3A_91 = tpu.memref_slice %arg12[%dma_start3A_89, %dma_start3A_90] : memref<100001x64xf32, #tpu.memory_space<hbm>> -> memref<100001x64xf32, #tpu.memory_space<hbm>>
      tpu.enqueue_indirect_dma source(%dma_start3A_91 : memref<100001x64xf32, #tpu.memory_space<hbm>>) target(%arg48 : memref<128x64xf32, #tpu.memory_space<vmem>>) offsets(%dma_start3A_88 : memref<128xi32, #tpu.memory_space<vmem>>) semaphore(%arg59 : memref<!tpu.dma_semaphore, #tpu.memory_space<semaphore_mem>>)
      %dma_start3A_92 = arith.constant 0 : i32
      %dma_start3A_93 = tpu.memref_slice %arg32[%add3A_85, %dma_start3A_92] : memref<50x128xi32, #tpu.memory_space<vmem>> -> memref<1x128xi32, #tpu.memory_space<vmem>>
      %dma_start3A_94 = tpu.memref_squeeze %dma_start3A_93 : memref<1x128xi32, #tpu.memory_space<vmem>> -> memref<128xi32, #tpu.memory_space<vmem>>
      %dma_start3A_95 = arith.constant 0 : i32
      %dma_start3A_96 = arith.constant 0 : i32
      %dma_start3A_97 = tpu.memref_slice %arg13[%dma_start3A_95, %dma_start3A_96] : memref<100001x64xf32, #tpu.memory_space<hbm>> -> memref<100001x64xf32, #tpu.memory_space<hbm>>
      tpu.enqueue_indirect_dma source(%dma_start3A_97 : memref<100001x64xf32, #tpu.memory_space<hbm>>) target(%arg50 : memref<128x64xf32, #tpu.memory_space<vmem>>) offsets(%dma_start3A_94 : memref<128xi32, #tpu.memory_space<vmem>>) semaphore(%arg61 : memref<!tpu.dma_semaphore, #tpu.memory_space<semaphore_mem>>)
      %dma_wait3A_98 = arith.constant 0 : i32
      %dma_wait3A_99 = arith.constant 0 : i32
      %dma_wait3A_100 = tpu.memref_slice %arg12[%dma_wait3A_98, %dma_wait3A_99] : memref<100001x64xf32, #tpu.memory_space<hbm>> -> memref<128x64xf32, #tpu.memory_space<hbm>>
      %dma_wait3A_101 = arith.constant 0 : i32
      %dma_wait3A_102 = arith.constant 0 : i32
      %dma_wait3A_103 = tpu.memref_slice %arg12[%dma_wait3A_101, %dma_wait3A_102] : memref<100001x64xf32, #tpu.memory_space<hbm>> -> memref<128x64xf32, #tpu.memory_space<hbm>>
      tpu.wait_dma2 semaphore(%arg58 : memref<!tpu.dma_semaphore, #tpu.memory_space<semaphore_mem>>) src(%dma_wait3A_103 : memref<128x64xf32, #tpu.memory_space<hbm>>) dst(%arg47 : memref<128x64xf32, #tpu.memory_space<vmem>>)
      %dma_wait3A_104 = arith.constant 0 : i32
      %dma_wait3A_105 = arith.constant 0 : i32
      %dma_wait3A_106 = tpu.memref_slice %arg12[%dma_wait3A_104, %dma_wait3A_105] : memref<100001x64xf32, #tpu.memory_space<hbm>> -> memref<128x64xf32, #tpu.memory_space<hbm>>
      %dma_wait3A_107 = arith.constant 0 : i32
      %dma_wait3A_108 = arith.constant 0 : i32
      %dma_wait3A_109 = tpu.memref_slice %arg12[%dma_wait3A_107, %dma_wait3A_108] : memref<100001x64xf32, #tpu.memory_space<hbm>> -> memref<128x64xf32, #tpu.memory_space<hbm>>
      tpu.wait_dma2 semaphore(%arg60 : memref<!tpu.dma_semaphore, #tpu.memory_space<semaphore_mem>>) src(%dma_wait3A_109 : memref<128x64xf32, #tpu.memory_space<hbm>>) dst(%arg49 : memref<128x64xf32, #tpu.memory_space<vmem>>)
      %scan3A_110 = arith.constant 0 : i32
      %scan3A_111 = arith.constant 128 : i32
      %scan3A_112 = arith.addi %scan3A_110, %scan3A_111 : i32
      %scan3A_113 = arith.constant 1 : i32
      scf.for %scan3A_146 = %scan3A_110 to %scan3A_112 step %scan3A_113  : i32 {
        %mul3A_147 = arith.constant 1 : i32
        %mul3A_148 = arith.muli %scan3A_146, %mul3A_147 : i32
        %add3A_149 = arith.constant 0 : i32
        %add3A_150 = arith.addi %add3A_149, %mul3A_148 : i32
        %get3A_151 = arith.index_cast %add3A_150 : i32 to index
        %get3A_152 = arith.constant 0 : index
        %get3A_153 = tpu.vector_load %arg47[%get3A_151, %get3A_152] {strides = array<i32>} : memref<128x64xf32, #tpu.memory_space<vmem>>, vector<16xf32>,
        %swap3A = arith.index_cast %add3A_150 : i32 to index
        %swap3A_154 = arith.constant 0 : index
        %swap3A_155 = tpu.vector_load %arg45[%swap3A, %swap3A_154] {strides = array<i32>} : memref<128x64xf32, #tpu.memory_space<vmem>>, vector<16xf32>,
        tpu.vector_store %arg45[%swap3A, %swap3A_154], %get3A_153 {add = true, strides = array<i32>} : memref<128x64xf32, #tpu.memory_space<vmem>>, vector<16xf32>,
        %get3A_156 = arith.index_cast %add3A_150 : i32 to index
        %get3A_157 = arith.constant 16 : index
        %get3A_158 = tpu.vector_load %arg47[%get3A_156, %get3A_157] {strides = array<i32>} : memref<128x64xf32, #tpu.memory_space<vmem>>, vector<16xf32>,
        %swap3A_159 = arith.index_cast %add3A_150 : i32 to index
        %swap3A_160 = arith.constant 16 : index
        %swap3A_161 = tpu.vector_load %arg45[%swap3A_159, %swap3A_160] {strides = array<i32>} : memref<128x64xf32, #tpu.memory_space<vmem>>, vector<16xf32>,
        tpu.vector_store %arg45[%swap3A_159, %swap3A_160], %get3A_158 {add = true, strides = array<i32>} : memref<128x64xf32, #tpu.memory_space<vmem>>, vector<16xf32>,
        %get3A_162 = arith.index_cast %add3A_150 : i32 to index
        %get3A_163 = arith.constant 32 : index
        %get3A_164 = tpu.vector_load %arg47[%get3A_162, %get3A_163] {strides = array<i32>} : memref<128x64xf32, #tpu.memory_space<vmem>>, vector<16xf32>,
        %swap3A_165 = arith.index_cast %add3A_150 : i32 to index
        %swap3A_166 = arith.constant 32 : index
        %swap3A_167 = tpu.vector_load %arg45[%swap3A_165, %swap3A_166] {strides = array<i32>} : memref<128x64xf32, #tpu.memory_space<vmem>>, vector<16xf32>,
        tpu.vector_store %arg45[%swap3A_165, %swap3A_166], %get3A_164 {add = true, strides = array<i32>} : memref<128x64xf32, #tpu.memory_space<vmem>>, vector<16xf32>,
        %get3A_168 = arith.index_cast %add3A_150 : i32 to index
        %get3A_169 = arith.constant 48 : index
        %get3A_170 = tpu.vector_load %arg47[%get3A_168, %get3A_169] {strides = array<i32>} : memref<128x64xf32, #tpu.memory_space<vmem>>, vector<16xf32>,
        %swap3A_171 = arith.index_cast %add3A_150 : i32 to index
        %swap3A_172 = arith.constant 48 : index
        %swap3A_173 = tpu.vector_load %arg45[%swap3A_171, %swap3A_172] {strides = array<i32>} : memref<128x64xf32, #tpu.memory_space<vmem>>, vector<16xf32>,
        tpu.vector_store %arg45[%swap3A_171, %swap3A_172], %get3A_170 {add = true, strides = array<i32>} : memref<128x64xf32, #tpu.memory_space<vmem>>, vector<16xf32>,
      }
      %scan3A_114 = arith.constant 128 : i32
      %scan3A_115 = arith.constant 0 : i32
      %scan3A_116 = arith.constant 128 : i32
      %scan3A_117 = arith.addi %scan3A_115, %scan3A_116 : i32
      %scan3A_118 = arith.constant 1 : i32
      scf.for %scan3A_146 = %scan3A_115 to %scan3A_117 step %scan3A_118  : i32 {
        %mul3A_147 = arith.constant 1 : i32
        %mul3A_148 = arith.muli %scan3A_146, %mul3A_147 : i32
        %add3A_149 = arith.constant 0 : i32
        %add3A_150 = arith.addi %add3A_149, %mul3A_148 : i32
        %get3A_151 = arith.index_cast %add3A_150 : i32 to index
        %get3A_152 = arith.constant 0 : index
        %get3A_153 = tpu.vector_load %arg49[%get3A_151, %get3A_152] {strides = array<i32>} : memref<128x64xf32, #tpu.memory_space<vmem>>, vector<16xf32>,
        %swap3A = arith.index_cast %add3A_150 : i32 to index
        %swap3A_154 = arith.constant 0 : index
        %swap3A_155 = tpu.vector_load %arg46[%swap3A, %swap3A_154] {strides = array<i32>} : memref<128x64xf32, #tpu.memory_space<vmem>>, vector<16xf32>,
        tpu.vector_store %arg46[%swap3A, %swap3A_154], %get3A_153 {add = true, strides = array<i32>} : memref<128x64xf32, #tpu.memory_space<vmem>>, vector<16xf32>,
        %get3A_156 = arith.index_cast %add3A_150 : i32 to index
        %get3A_157 = arith.constant 16 : index
        %get3A_158 = tpu.vector_load %arg49[%get3A_156, %get3A_157] {strides = array<i32>} : memref<128x64xf32, #tpu.memory_space<vmem>>, vector<16xf32>,
        %swap3A_159 = arith.index_cast %add3A_150 : i32 to index
        %swap3A_160 = arith.constant 16 : index
        %swap3A_161 = tpu.vector_load %arg46[%swap3A_159, %swap3A_160] {strides = array<i32>} : memref<128x64xf32, #tpu.memory_space<vmem>>, vector<16xf32>,
        tpu.vector_store %arg46[%swap3A_159, %swap3A_160], %get3A_158 {add = true, strides = array<i32>} : memref<128x64xf32, #tpu.memory_space<vmem>>, vector<16xf32>,
        %get3A_162 = arith.index_cast %add3A_150 : i32 to index
        %get3A_163 = arith.constant 32 : index
        %get3A_164 = tpu.vector_load %arg49[%get3A_162, %get3A_163] {strides = array<i32>} : memref<128x64xf32, #tpu.memory_space<vmem>>, vector<16xf32>,
        %swap3A_165 = arith.index_cast %add3A_150 : i32 to index
        %swap3A_166 = arith.constant 32 : index
        %swap3A_167 = tpu.vector_load %arg46[%swap3A_165, %swap3A_166] {strides = array<i32>} : memref<128x64xf32, #tpu.memory_space<vmem>>, vector<16xf32>,
        tpu.vector_store %arg46[%swap3A_165, %swap3A_166], %get3A_164 {add = true, strides = array<i32>} : memref<128x64xf32, #tpu.memory_space<vmem>>, vector<16xf32>,
        %get3A_168 = arith.index_cast %add3A_150 : i32 to index
        %get3A_169 = arith.constant 48 : index
        %get3A_170 = tpu.vector_load %arg49[%get3A_168, %get3A_169] {strides = array<i32>} : memref<128x64xf32, #tpu.memory_space<vmem>>, vector<16xf32>,
        %swap3A_171 = arith.index_cast %add3A_150 : i32 to index
        %swap3A_172 = arith.constant 48 : index
        %swap3A_173 = tpu.vector_load %arg46[%swap3A_171, %swap3A_172] {strides = array<i32>} : memref<128x64xf32, #tpu.memory_space<vmem>>, vector<16xf32>,
        tpu.vector_store %arg46[%swap3A_171, %swap3A_172], %get3A_170 {add = true, strides = array<i32>} : memref<128x64xf32, #tpu.memory_space<vmem>>, vector<16xf32>,
      }
      %scan3A_119 = arith.constant 128 : i32
      %add3A_120 = arith.constant 2 : i32
      %add3A_121 = arith.addi %mul3A_83, %add3A_120 : i32
      %lt3A = arith.constant 50 : i32
      %lt3A_122 = arith.cmpi slt, %add3A_121, %lt3A : i32
      %convert_element_type3A = arith.extui %lt3A_122 : i1 to i32
      %cond3A = arith.constant 0 : i32
      %cond3A_123 = arith.cmpi ne, %convert_element_type3A, %cond3A : i32
      scf.if %cond3A_123 {
        %add3A_146 = arith.constant 2 : i32
        %add3A_147 = arith.addi %mul3A_83, %add3A_146 : i32
        %dma_start3A_148 = arith.constant 0 : i32
        %dma_start3A_149 = tpu.memref_slice %arg31[%add3A_147, %dma_start3A_148] : memref<50x128xi32, #tpu.memory_space<vmem>> -> memref<1x128xi32, #tpu.memory_space<vmem>>
        %dma_start3A_150 = tpu.memref_squeeze %dma_start3A_149 : memref<1x128xi32, #tpu.memory_space<vmem>> -> memref<128xi32, #tpu.memory_space<vmem>>
        %dma_start3A_151 = arith.constant 0 : i32
        %dma_start3A_152 = arith.constant 0 : i32
        %dma_start3A_153 = tpu.memref_slice %arg12[%dma_start3A_151, %dma_start3A_152] : memref<100001x64xf32, #tpu.memory_space<hbm>> -> memref<100001x64xf32, #tpu.memory_space<hbm>>
        tpu.enqueue_indirect_dma source(%dma_start3A_153 : memref<100001x64xf32, #tpu.memory_space<hbm>>) target(%arg47 : memref<128x64xf32, #tpu.memory_space<vmem>>) offsets(%dma_start3A_150 : memref<128xi32, #tpu.memory_space<vmem>>) semaphore(%arg58 : memref<!tpu.dma_semaphore, #tpu.memory_space<semaphore_mem>>)
        %dma_start3A_154 = arith.constant 0 : i32
        %dma_start3A_155 = tpu.memref_slice %arg32[%add3A_147, %dma_start3A_154] : memref<50x128xi32, #tpu.memory_space<vmem>> -> memref<1x128xi32, #tpu.memory_space<vmem>>
        %dma_start3A_156 = tpu.memref_squeeze %dma_start3A_155 : memref<1x128xi32, #tpu.memory_space<vmem>> -> memref<128xi32, #tpu.memory_space<vmem>>
        %dma_start3A_157 = arith.constant 0 : i32
        %dma_start3A_158 = arith.constant 0 : i32
        %dma_start3A_159 = tpu.memref_slice %arg13[%dma_start3A_157, %dma_start3A_158] : memref<100001x64xf32, #tpu.memory_space<hbm>> -> memref<100001x64xf32, #tpu.memory_space<hbm>>
        tpu.enqueue_indirect_dma source(%dma_start3A_159 : memref<100001x64xf32, #tpu.memory_space<hbm>>) target(%arg49 : memref<128x64xf32, #tpu.memory_space<vmem>>) offsets(%dma_start3A_156 : memref<128xi32, #tpu.memory_space<vmem>>) semaphore(%arg60 : memref<!tpu.dma_semaphore, #tpu.memory_space<semaphore_mem>>)
      } else {
      }
      %dma_wait3A_124 = arith.constant 0 : i32
      %dma_wait3A_125 = arith.constant 0 : i32
      %dma_wait3A_126 = tpu.memref_slice %arg12[%dma_wait3A_124, %dma_wait3A_125] : memref<100001x64xf32, #tpu.memory_space<hbm>> -> memref<128x64xf32, #tpu.memory_space<hbm>>
      %dma_wait3A_127 = arith.constant 0 : i32
      %dma_wait3A_128 = arith.constant 0 : i32
      %dma_wait3A_129 = tpu.memref_slice %arg12[%dma_wait3A_127, %dma_wait3A_128] : memref<100001x64xf32, #tpu.memory_space<hbm>> -> memref<128x64xf32, #tpu.memory_space<hbm>>
      tpu.wait_dma2 semaphore(%arg59 : memref<!tpu.dma_semaphore, #tpu.memory_space<semaphore_mem>>) src(%dma_wait3A_129 : memref<128x64xf32, #tpu.memory_space<hbm>>) dst(%arg48 : memref<128x64xf32, #tpu.memory_space<vmem>>)
      %dma_wait3A_130 = arith.constant 0 : i32
      %dma_wait3A_131 = arith.constant 0 : i32
      %dma_wait3A_132 = tpu.memref_slice %arg12[%dma_wait3A_130, %dma_wait3A_131] : memref<100001x64xf32, #tpu.memory_space<hbm>> -> memref<128x64xf32, #tpu.memory_space<hbm>>
      %dma_wait3A_133 = arith.constant 0 : i32
      %dma_wait3A_134 = arith.constant 0 : i32
      %dma_wait3A_135 = tpu.memref_slice %arg12[%dma_wait3A_133, %dma_wait3A_134] : memref<100001x64xf32, #tpu.memory_space<hbm>> -> memref<128x64xf32, #tpu.memory_space<hbm>>
      tpu.wait_dma2 semaphore(%arg61 : memref<!tpu.dma_semaphore, #tpu.memory_space<semaphore_mem>>) src(%dma_wait3A_135 : memref<128x64xf32, #tpu.memory_space<hbm>>) dst(%arg50 : memref<128x64xf32, #tpu.memory_space<vmem>>)
      %scan3A_136 = arith.constant 0 : i32
      %scan3A_137 = arith.constant 128 : i32
      %scan3A_138 = arith.addi %scan3A_136, %scan3A_137 : i32
      %scan3A_139 = arith.constant 1 : i32
      scf.for %scan3A_146 = %scan3A_136 to %scan3A_138 step %scan3A_139  : i32 {
        %mul3A_147 = arith.constant 1 : i32
        %mul3A_148 = arith.muli %scan3A_146, %mul3A_147 : i32
        %add3A_149 = arith.constant 0 : i32
        %add3A_150 = arith.addi %add3A_149, %mul3A_148 : i32
        %get3A_151 = arith.index_cast %add3A_150 : i32 to index
        %get3A_152 = arith.constant 0 : index
        %get3A_153 = tpu.vector_load %arg48[%get3A_151, %get3A_152] {strides = array<i32>} : memref<128x64xf32, #tpu.memory_space<vmem>>, vector<16xf32>,
        %swap3A = arith.index_cast %add3A_150 : i32 to index
        %swap3A_154 = arith.constant 0 : index
        %swap3A_155 = tpu.vector_load %arg45[%swap3A, %swap3A_154] {strides = array<i32>} : memref<128x64xf32, #tpu.memory_space<vmem>>, vector<16xf32>,
        tpu.vector_store %arg45[%swap3A, %swap3A_154], %get3A_153 {add = true, strides = array<i32>} : memref<128x64xf32, #tpu.memory_space<vmem>>, vector<16xf32>,
        %get3A_156 = arith.index_cast %add3A_150 : i32 to index
        %get3A_157 = arith.constant 16 : index
        %get3A_158 = tpu.vector_load %arg48[%get3A_156, %get3A_157] {strides = array<i32>} : memref<128x64xf32, #tpu.memory_space<vmem>>, vector<16xf32>,
        %swap3A_159 = arith.index_cast %add3A_150 : i32 to index
        %swap3A_160 = arith.constant 16 : index
        %swap3A_161 = tpu.vector_load %arg45[%swap3A_159, %swap3A_160] {strides = array<i32>} : memref<128x64xf32, #tpu.memory_space<vmem>>, vector<16xf32>,
        tpu.vector_store %arg45[%swap3A_159, %swap3A_160], %get3A_158 {add = true, strides = array<i32>} : memref<128x64xf32, #tpu.memory_space<vmem>>, vector<16xf32>,
        %get3A_162 = arith.index_cast %add3A_150 : i32 to index
        %get3A_163 = arith.constant 32 : index
        %get3A_164 = tpu.vector_load %arg48[%get3A_162, %get3A_163] {strides = array<i32>} : memref<128x64xf32, #tpu.memory_space<vmem>>, vector<16xf32>,
        %swap3A_165 = arith.index_cast %add3A_150 : i32 to index
        %swap3A_166 = arith.constant 32 : index
        %swap3A_167 = tpu.vector_load %arg45[%swap3A_165, %swap3A_166] {strides = array<i32>} : memref<128x64xf32, #tpu.memory_space<vmem>>, vector<16xf32>,
        tpu.vector_store %arg45[%swap3A_165, %swap3A_166], %get3A_164 {add = true, strides = array<i32>} : memref<128x64xf32, #tpu.memory_space<vmem>>, vector<16xf32>,
        %get3A_168 = arith.index_cast %add3A_150 : i32 to index
        %get3A_169 = arith.constant 48 : index
        %get3A_170 = tpu.vector_load %arg48[%get3A_168, %get3A_169] {strides = array<i32>} : memref<128x64xf32, #tpu.memory_space<vmem>>, vector<16xf32>,
        %swap3A_171 = arith.index_cast %add3A_150 : i32 to index
        %swap3A_172 = arith.constant 48 : index
        %swap3A_173 = tpu.vector_load %arg45[%swap3A_171, %swap3A_172] {strides = array<i32>} : memref<128x64xf32, #tpu.memory_space<vmem>>, vector<16xf32>,
        tpu.vector_store %arg45[%swap3A_171, %swap3A_172], %get3A_170 {add = true, strides = array<i32>} : memref<128x64xf32, #tpu.memory_space<vmem>>, vector<16xf32>,
      }
      %scan3A_140 = arith.constant 128 : i32
      %scan3A_141 = arith.constant 0 : i32
      %scan3A_142 = arith.constant 128 : i32
      %scan3A_143 = arith.addi %scan3A_141, %scan3A_142 : i32
      %scan3A_144 = arith.constant 1 : i32
      scf.for %scan3A_146 = %scan3A_141 to %scan3A_143 step %scan3A_144  : i32 {
        %mul3A_147 = arith.constant 1 : i32
        %mul3A_148 = arith.muli %scan3A_146, %mul3A_147 : i32
        %add3A_149 = arith.constant 0 : i32
        %add3A_150 = arith.addi %add3A_149, %mul3A_148 : i32
        %get3A_151 = arith.index_cast %add3A_150 : i32 to index
        %get3A_152 = arith.constant 0 : index
        %get3A_153 = tpu.vector_load %arg50[%get3A_151, %get3A_152] {strides = array<i32>} : memref<128x64xf32, #tpu.memory_space<vmem>>, vector<16xf32>,
        %swap3A = arith.index_cast %add3A_150 : i32 to index
        %swap3A_154 = arith.constant 0 : index
        %swap3A_155 = tpu.vector_load %arg46[%swap3A, %swap3A_154] {strides = array<i32>} : memref<128x64xf32, #tpu.memory_space<vmem>>, vector<16xf32>,
        tpu.vector_store %arg46[%swap3A, %swap3A_154], %get3A_153 {add = true, strides = array<i32>} : memref<128x64xf32, #tpu.memory_space<vmem>>, vector<16xf32>,
        %get3A_156 = arith.index_cast %add3A_150 : i32 to index
        %get3A_157 = arith.constant 16 : index
        %get3A_158 = tpu.vector_load %arg50[%get3A_156, %get3A_157] {strides = array<i32>} : memref<128x64xf32, #tpu.memory_space<vmem>>, vector<16xf32>,
        %swap3A_159 = arith.index_cast %add3A_150 : i32 to index
        %swap3A_160 = arith.constant 16 : index
        %swap3A_161 = tpu.vector_load %arg46[%swap3A_159, %swap3A_160] {strides = array<i32>} : memref<128x64xf32, #tpu.memory_space<vmem>>, vector<16xf32>,
        tpu.vector_store %arg46[%swap3A_159, %swap3A_160], %get3A_158 {add = true, strides = array<i32>} : memref<128x64xf32, #tpu.memory_space<vmem>>, vector<16xf32>,
        %get3A_162 = arith.index_cast %add3A_150 : i32 to index
        %get3A_163 = arith.constant 32 : index
        %get3A_164 = tpu.vector_load %arg50[%get3A_162, %get3A_163] {strides = array<i32>} : memref<128x64xf32, #tpu.memory_space<vmem>>, vector<16xf32>,
        %swap3A_165 = arith.index_cast %add3A_150 : i32 to index
        %swap3A_166 = arith.constant 32 : index
        %swap3A_167 = tpu.vector_load %arg46[%swap3A_165, %swap3A_166] {strides = array<i32>} : memref<128x64xf32, #tpu.memory_space<vmem>>, vector<16xf32>,
        tpu.vector_store %arg46[%swap3A_165, %swap3A_166], %get3A_164 {add = true, strides = array<i32>} : memref<128x64xf32, #tpu.memory_space<vmem>>, vector<16xf32>,
        %get3A_168 = arith.index_cast %add3A_150 : i32 to index
        %get3A_169 = arith.constant 48 : index
        %get3A_170 = tpu.vector_load %arg50[%get3A_168, %get3A_169] {strides = array<i32>} : memref<128x64xf32, #tpu.memory_space<vmem>>, vector<16xf32>,
        %swap3A_171 = arith.index_cast %add3A_150 : i32 to index
        %swap3A_172 = arith.constant 48 : index
        %swap3A_173 = tpu.vector_load %arg46[%swap3A_171, %swap3A_172] {strides = array<i32>} : memref<128x64xf32, #tpu.memory_space<vmem>>, vector<16xf32>,
        tpu.vector_store %arg46[%swap3A_171, %swap3A_172], %get3A_170 {add = true, strides = array<i32>} : memref<128x64xf32, #tpu.memory_space<vmem>>, vector<16xf32>,
      }
      %scan3A_145 = arith.constant 128 : i32
    }
    %scan3A_48 = arith.constant 25 : i32
    %dma_wait3A = arith.constant 0 : i32
    %dma_wait3A_49 = arith.constant 0 : i32
    %dma_wait3A_50 = tpu.memref_slice %arg10[%dma_wait3A, %dma_wait3A_49] : memref<100000x64xf32, #tpu.memory_space<hbm>> -> memref<100000x64xf32, #tpu.memory_space<hbm>>
    tpu.wait_indirect_dma semaphore(%arg57 : memref<!tpu.dma_semaphore, #tpu.memory_space<semaphore_mem>>) src(%dma_wait3A_50 : memref<100000x64xf32, #tpu.memory_space<hbm>>) dst(%arg38 : memref<128x64xf32, #tpu.memory_space<vmem>>)
    %dma_wait3A_51 = arith.constant 0 : i32
    %dma_wait3A_52 = arith.constant 0 : i32
    %dma_wait3A_53 = tpu.memref_slice %arg11[%dma_wait3A_51, %dma_wait3A_52] : memref<100000x64xf32, #tpu.memory_space<hbm>> -> memref<100000x64xf32, #tpu.memory_space<hbm>>
    tpu.wait_indirect_dma semaphore(%arg57 : memref<!tpu.dma_semaphore, #tpu.memory_space<semaphore_mem>>) src(%dma_wait3A_53 : memref<100000x64xf32, #tpu.memory_space<hbm>>) dst(%arg39 : memref<128x64xf32, #tpu.memory_space<vmem>>)
    %dma_wait3A_54 = arith.constant 0 : i32
    %dma_wait3A_55 = arith.constant 0 : i32
    %dma_wait3A_56 = tpu.memref_slice %arg12[%dma_wait3A_54, %dma_wait3A_55] : memref<100001x64xf32, #tpu.memory_space<hbm>> -> memref<100001x64xf32, #tpu.memory_space<hbm>>
    tpu.wait_indirect_dma semaphore(%arg57 : memref<!tpu.dma_semaphore, #tpu.memory_space<semaphore_mem>>) src(%dma_wait3A_56 : memref<100001x64xf32, #tpu.memory_space<hbm>>) dst(%arg40 : memref<128x64xf32, #tpu.memory_space<vmem>>)
    %dma_wait3A_57 = arith.constant 0 : i32
    %dma_wait3A_58 = arith.constant 0 : i32
    %dma_wait3A_59 = tpu.memref_slice %arg13[%dma_wait3A_57, %dma_wait3A_58] : memref<100001x64xf32, #tpu.memory_space<hbm>> -> memref<100001x64xf32, #tpu.memory_space<hbm>>
    tpu.wait_indirect_dma semaphore(%arg57 : memref<!tpu.dma_semaphore, #tpu.memory_space<semaphore_mem>>) src(%dma_wait3A_59 : memref<100001x64xf32, #tpu.memory_space<hbm>>) dst(%arg41 : memref<128x64xf32, #tpu.memory_space<vmem>>)
    %dma_wait3A_60 = arith.constant 0 : i32
    %dma_wait3A_61 = arith.constant 0 : i32
    %dma_wait3A_62 = tpu.memref_slice %arg31[%dma_wait3A_60, %dma_wait3A_61] : memref<50x128xi32, #tpu.memory_space<vmem>> -> memref<1x128xi32, #tpu.memory_space<vmem>>
    %dma_wait3A_63 = tpu.memref_squeeze %dma_wait3A_62 : memref<1x128xi32, #tpu.memory_space<vmem>> -> memref<128xi32, #tpu.memory_space<vmem>>
    %dma_wait3A_64 = arith.constant 0 : i32
    %dma_wait3A_65 = arith.constant 0 : i32
    %dma_wait3A_66 = tpu.memref_slice %arg12[%dma_wait3A_64, %dma_wait3A_65] : memref<100001x64xf32, #tpu.memory_space<hbm>> -> memref<100001x64xf32, #tpu.memory_space<hbm>>
    tpu.wait_indirect_dma semaphore(%arg57 : memref<!tpu.dma_semaphore, #tpu.memory_space<semaphore_mem>>) src(%dma_wait3A_66 : memref<100001x64xf32, #tpu.memory_space<hbm>>) dst(%arg42 : memref<128x64xf32, #tpu.memory_space<vmem>>)
    %dma_wait3A_67 = arith.constant 0 : i32
    %dma_wait3A_68 = tpu.memref_slice %arg14[%dma_wait3A_67] : memref<100000xf32, #tpu.memory_space<hbm>> -> memref<100000xf32, #tpu.memory_space<hbm>>
    tpu.wait_indirect_dma semaphore(%arg57 : memref<!tpu.dma_semaphore, #tpu.memory_space<semaphore_mem>>) src(%dma_wait3A_68 : memref<100000xf32, #tpu.memory_space<hbm>>) dst(%arg43 : memref<128xf32, #tpu.memory_space<vmem>>)
    %dma_wait3A_69 = arith.constant 0 : i32
    %dma_wait3A_70 = tpu.memref_slice %arg15[%dma_wait3A_69] : memref<100000xf32, #tpu.memory_space<hbm>> -> memref<100000xf32, #tpu.memory_space<hbm>>
    tpu.wait_indirect_dma semaphore(%arg57 : memref<!tpu.dma_semaphore, #tpu.memory_space<semaphore_mem>>) src(%dma_wait3A_70 : memref<100000xf32, #tpu.memory_space<hbm>>) dst(%arg44 : memref<128xf32, #tpu.memory_space<vmem>>)
    "tpu.region"() ({
      %run_scoped3A = tpu.sem_alloc : memref<!tpu.dma_semaphore, #tpu.memory_space<semaphore_mem>>
      %dma_start3A_77 = arith.constant 0 : i32
      %dma_start3A_78 = tpu.memref_slice %arg23[%mul3A_2, %dma_start3A_77] : memref<4096x64xf32, #tpu.memory_space<hbm>> -> memref<128x64xf32, #tpu.memory_space<hbm>>
      %dma_start3A_79 = arith.constant 0 : i32
      %dma_start3A_80 = tpu.memref_slice %arg23[%mul3A_2, %dma_start3A_79] : memref<4096x64xf32, #tpu.memory_space<hbm>> -> memref<128x64xf32, #tpu.memory_space<hbm>>
      tpu.enqueue_dma source(%arg38 : memref<128x64xf32, #tpu.memory_space<vmem>>) target(%dma_start3A_80 : memref<128x64xf32, #tpu.memory_space<hbm>>) target_semaphore(%run_scoped3A : memref<!tpu.dma_semaphore, #tpu.memory_space<semaphore_mem>>)
      %dma_wait3A_81 = arith.constant 0 : i32
      %dma_wait3A_82 = tpu.memref_slice %arg23[%mul3A_2, %dma_wait3A_81] : memref<4096x64xf32, #tpu.memory_space<hbm>> -> memref<128x64xf32, #tpu.memory_space<hbm>>
      %dma_wait3A_83 = arith.constant 0 : i32
      %dma_wait3A_84 = tpu.memref_slice %arg23[%mul3A_2, %dma_wait3A_83] : memref<4096x64xf32, #tpu.memory_space<hbm>> -> memref<128x64xf32, #tpu.memory_space<hbm>>
      tpu.wait_dma2 semaphore(%run_scoped3A : memref<!tpu.dma_semaphore, #tpu.memory_space<semaphore_mem>>) src(%arg38 : memref<128x64xf32, #tpu.memory_space<vmem>>) dst(%dma_wait3A_84 : memref<128x64xf32, #tpu.memory_space<hbm>>)
      tpu.yield
    }) : () -> ()
    "tpu.region"() ({
      %run_scoped3A = tpu.sem_alloc : memref<!tpu.dma_semaphore, #tpu.memory_space<semaphore_mem>>
      %dma_start3A_77 = arith.constant 0 : i32
      %dma_start3A_78 = tpu.memref_slice %arg24[%mul3A_2, %dma_start3A_77] : memref<4096x64xf32, #tpu.memory_space<hbm>> -> memref<128x64xf32, #tpu.memory_space<hbm>>
      %dma_start3A_79 = arith.constant 0 : i32
      %dma_start3A_80 = tpu.memref_slice %arg24[%mul3A_2, %dma_start3A_79] : memref<4096x64xf32, #tpu.memory_space<hbm>> -> memref<128x64xf32, #tpu.memory_space<hbm>>
      tpu.enqueue_dma source(%arg39 : memref<128x64xf32, #tpu.memory_space<vmem>>) target(%dma_start3A_80 : memref<128x64xf32, #tpu.memory_space<hbm>>) target_semaphore(%run_scoped3A : memref<!tpu.dma_semaphore, #tpu.memory_space<semaphore_mem>>)
      %dma_wait3A_81 = arith.constant 0 : i32
      %dma_wait3A_82 = tpu.memref_slice %arg24[%mul3A_2, %dma_wait3A_81] : memref<4096x64xf32, #tpu.memory_space<hbm>> -> memref<128x64xf32, #tpu.memory_space<hbm>>
      %dma_wait3A_83 = arith.constant 0 : i32
      %dma_wait3A_84 = tpu.memref_slice %arg24[%mul3A_2, %dma_wait3A_83] : memref<4096x64xf32, #tpu.memory_space<hbm>> -> memref<128x64xf32, #tpu.memory_space<hbm>>
      tpu.wait_dma2 semaphore(%run_scoped3A : memref<!tpu.dma_semaphore, #tpu.memory_space<semaphore_mem>>) src(%arg39 : memref<128x64xf32, #tpu.memory_space<vmem>>) dst(%dma_wait3A_84 : memref<128x64xf32, #tpu.memory_space<hbm>>)
      tpu.yield
    }) : () -> ()
    "tpu.region"() ({
      %run_scoped3A = tpu.sem_alloc : memref<!tpu.dma_semaphore, #tpu.memory_space<semaphore_mem>>
      %dma_start3A_77 = arith.constant 0 : i32
      %dma_start3A_78 = tpu.memref_slice %arg28[%mul3A_2, %dma_start3A_77] : memref<4096x64xf32, #tpu.memory_space<hbm>> -> memref<128x64xf32, #tpu.memory_space<hbm>>
      %dma_start3A_79 = arith.constant 0 : i32
      %dma_start3A_80 = tpu.memref_slice %arg28[%mul3A_2, %dma_start3A_79] : memref<4096x64xf32, #tpu.memory_space<hbm>> -> memref<128x64xf32, #tpu.memory_space<hbm>>
      tpu.enqueue_dma source(%arg40 : memref<128x64xf32, #tpu.memory_space<vmem>>) target(%dma_start3A_80 : memref<128x64xf32, #tpu.memory_space<hbm>>) target_semaphore(%run_scoped3A : memref<!tpu.dma_semaphore, #tpu.memory_space<semaphore_mem>>)
      %dma_wait3A_81 = arith.constant 0 : i32
      %dma_wait3A_82 = tpu.memref_slice %arg28[%mul3A_2, %dma_wait3A_81] : memref<4096x64xf32, #tpu.memory_space<hbm>> -> memref<128x64xf32, #tpu.memory_space<hbm>>
      %dma_wait3A_83 = arith.constant 0 : i32
      %dma_wait3A_84 = tpu.memref_slice %arg28[%mul3A_2, %dma_wait3A_83] : memref<4096x64xf32, #tpu.memory_space<hbm>> -> memref<128x64xf32, #tpu.memory_space<hbm>>
      tpu.wait_dma2 semaphore(%run_scoped3A : memref<!tpu.dma_semaphore, #tpu.memory_space<semaphore_mem>>) src(%arg40 : memref<128x64xf32, #tpu.memory_space<vmem>>) dst(%dma_wait3A_84 : memref<128x64xf32, #tpu.memory_space<hbm>>)
      tpu.yield
    }) : () -> ()
    "tpu.region"() ({
      %run_scoped3A = tpu.sem_alloc : memref<!tpu.dma_semaphore, #tpu.memory_space<semaphore_mem>>
      %dma_start3A_77 = arith.constant 0 : i32
      %dma_start3A_78 = tpu.memref_slice %arg27[%mul3A_2, %dma_start3A_77] : memref<4096x64xf32, #tpu.memory_space<hbm>> -> memref<128x64xf32, #tpu.memory_space<hbm>>
      %dma_start3A_79 = arith.constant 0 : i32
      %dma_start3A_80 = tpu.memref_slice %arg27[%mul3A_2, %dma_start3A_79] : memref<4096x64xf32, #tpu.memory_space<hbm>> -> memref<128x64xf32, #tpu.memory_space<hbm>>
      tpu.enqueue_dma source(%arg41 : memref<128x64xf32, #tpu.memory_space<vmem>>) target(%dma_start3A_80 : memref<128x64xf32, #tpu.memory_space<hbm>>) target_semaphore(%run_scoped3A : memref<!tpu.dma_semaphore, #tpu.memory_space<semaphore_mem>>)
      %dma_wait3A_81 = arith.constant 0 : i32
      %dma_wait3A_82 = tpu.memref_slice %arg27[%mul3A_2, %dma_wait3A_81] : memref<4096x64xf32, #tpu.memory_space<hbm>> -> memref<128x64xf32, #tpu.memory_space<hbm>>
      %dma_wait3A_83 = arith.constant 0 : i32
      %dma_wait3A_84 = tpu.memref_slice %arg27[%mul3A_2, %dma_wait3A_83] : memref<4096x64xf32, #tpu.memory_space<hbm>> -> memref<128x64xf32, #tpu.memory_space<hbm>>
      tpu.wait_dma2 semaphore(%run_scoped3A : memref<!tpu.dma_semaphore, #tpu.memory_space<semaphore_mem>>) src(%arg41 : memref<128x64xf32, #tpu.memory_space<vmem>>) dst(%dma_wait3A_84 : memref<128x64xf32, #tpu.memory_space<hbm>>)
      tpu.yield
    }) : () -> ()
    "tpu.region"() ({
      %run_scoped3A = tpu.sem_alloc : memref<!tpu.dma_semaphore, #tpu.memory_space<semaphore_mem>>
      %dma_start3A_77 = tpu.memref_slice %arg19[%mul3A_2] : memref<4096xf32, #tpu.memory_space<hbm>> -> memref<128xf32, #tpu.memory_space<hbm>>
      %dma_start3A_78 = tpu.memref_slice %arg19[%mul3A_2] : memref<4096xf32, #tpu.memory_space<hbm>> -> memref<128xf32, #tpu.memory_space<hbm>>
      tpu.enqueue_dma source(%arg43 : memref<128xf32, #tpu.memory_space<vmem>>) target(%dma_start3A_78 : memref<128xf32, #tpu.memory_space<hbm>>) target_semaphore(%run_scoped3A : memref<!tpu.dma_semaphore, #tpu.memory_space<semaphore_mem>>)
      %dma_wait3A_79 = tpu.memref_slice %arg19[%mul3A_2] : memref<4096xf32, #tpu.memory_space<hbm>> -> memref<128xf32, #tpu.memory_space<hbm>>
      %dma_wait3A_80 = tpu.memref_slice %arg19[%mul3A_2] : memref<4096xf32, #tpu.memory_space<hbm>> -> memref<128xf32, #tpu.memory_space<hbm>>
      tpu.wait_dma2 semaphore(%run_scoped3A : memref<!tpu.dma_semaphore, #tpu.memory_space<semaphore_mem>>) src(%arg43 : memref<128xf32, #tpu.memory_space<vmem>>) dst(%dma_wait3A_80 : memref<128xf32, #tpu.memory_space<hbm>>)
      tpu.yield
    }) : () -> ()
    "tpu.region"() ({
      %run_scoped3A = tpu.sem_alloc : memref<!tpu.dma_semaphore, #tpu.memory_space<semaphore_mem>>
      %dma_start3A_77 = tpu.memref_slice %arg20[%mul3A_2] : memref<4096xf32, #tpu.memory_space<hbm>> -> memref<128xf32, #tpu.memory_space<hbm>>
      %dma_start3A_78 = tpu.memref_slice %arg20[%mul3A_2] : memref<4096xf32, #tpu.memory_space<hbm>> -> memref<128xf32, #tpu.memory_space<hbm>>
      tpu.enqueue_dma source(%arg44 : memref<128xf32, #tpu.memory_space<vmem>>) target(%dma_start3A_78 : memref<128xf32, #tpu.memory_space<hbm>>) target_semaphore(%run_scoped3A : memref<!tpu.dma_semaphore, #tpu.memory_space<semaphore_mem>>)
      %dma_wait3A_79 = tpu.memref_slice %arg20[%mul3A_2] : memref<4096xf32, #tpu.memory_space<hbm>> -> memref<128xf32, #tpu.memory_space<hbm>>
      %dma_wait3A_80 = tpu.memref_slice %arg20[%mul3A_2] : memref<4096xf32, #tpu.memory_space<hbm>> -> memref<128xf32, #tpu.memory_space<hbm>>
      tpu.wait_dma2 semaphore(%run_scoped3A : memref<!tpu.dma_semaphore, #tpu.memory_space<semaphore_mem>>) src(%arg44 : memref<128xf32, #tpu.memory_space<vmem>>) dst(%dma_wait3A_80 : memref<128xf32, #tpu.memory_space<hbm>>)
      tpu.yield
    }) : () -> ()
    %get3A = arith.constant 0 : index
    %get3A_71 = tpu.vector_load %arg37[%get3A] {strides = array<i32>} : memref<16xf32, #tpu.memory_space<vmem>>, vector<16xf32>,
    %scan3A_72 = arith.constant 0 : i32
    %scan3A_73 = arith.constant 8 : i32
    %scan3A_74 = arith.addi %scan3A_72, %scan3A_73 : i32
    %scan3A_75 = arith.constant 1 : i32
    scf.for %scan3A_77 = %scan3A_72 to %scan3A_74 step %scan3A_75  : i32 {
      %mul3A_78 = arith.constant 1 : i32
      %mul3A_79 = arith.muli %scan3A_77, %mul3A_78 : i32
      %add3A_80 = arith.constant 0 : i32
      %add3A_81 = arith.addi %add3A_80, %mul3A_79 : i32
      %mul3A_82 = arith.constant 16 : i32
      %mul3A_83 = arith.muli %add3A_81, %mul3A_82 : i32
      %iota3A = tpu.iota {dimensions = array<i32: 0>} : vector<16xi32>
      %add3A_84 = vector.broadcast %mul3A_83 : i32 to vector<16xi32>
      %add3A_85 = arith.addi %add3A_84, %iota3A : vector<16xi32>
      %get3A_86 = arith.index_cast %mul3A_83 : i32 to index
      %get3A_87 = tpu.vector_load %arg33[%get3A_86] {strides = array<i32>} : memref<128xf32, #tpu.memory_space<vmem>>, vector<16xf32>,
      %add3A_88 = arith.constant 9.99999993E-9 : f32
      %add3A_89 = vector.broadcast %add3A_88 : f32 to vector<16xf32>
      %add3A_90 = arith.addf %get3A_87, %add3A_89 : vector<16xf32>
      %bitcast_convert_type3A = tpu.bitcast %add3A_90 : vector<16xf32> -> vector<16xi32>
      %shift_right_arithmetic3A = arith.constant 1 : i32
      %shift_right_arithmetic3A_91 = vector.broadcast %shift_right_arithmetic3A : i32 to vector<16xi32>
      %shift_right_arithmetic3A_92 = arith.shrsi %bitcast_convert_type3A, %shift_right_arithmetic3A_91 : vector<16xi32>
      %sub3A = arith.constant 1597463007 : i32
      %sub3A_93 = vector.broadcast %sub3A : i32 to vector<16xi32>
      %sub3A_94 = arith.subi %sub3A_93, %shift_right_arithmetic3A_92 : vector<16xi32>
      %bitcast_convert_type3A_95 = tpu.bitcast %sub3A_94 : vector<16xi32> -> vector<16xf32>
      %mul3A_96 = arith.constant 5.000000e-01 : f32
      %mul3A_97 = vector.broadcast %mul3A_96 : f32 to vector<16xf32>
      %mul3A_98 = arith.mulf %mul3A_97, %add3A_90 : vector<16xf32>
      %mul3A_99 = arith.mulf %mul3A_98, %bitcast_convert_type3A_95 : vector<16xf32>
      %mul3A_100 = arith.mulf %mul3A_99, %bitcast_convert_type3A_95 : vector<16xf32>
      %sub3A_101 = arith.constant 1.500000e+00 : f32
      %sub3A_102 = vector.broadcast %sub3A_101 : f32 to vector<16xf32>
      %sub3A_103 = arith.subf %sub3A_102, %mul3A_100 : vector<16xf32>
      %mul3A_104 = arith.mulf %bitcast_convert_type3A_95, %sub3A_103 : vector<16xf32>
      %mul3A_105 = arith.constant 5.000000e-01 : f32
      %mul3A_106 = vector.broadcast %mul3A_105 : f32 to vector<16xf32>
      %mul3A_107 = arith.mulf %mul3A_106, %add3A_90 : vector<16xf32>
      %mul3A_108 = arith.mulf %mul3A_107, %mul3A_104 : vector<16xf32>
      %mul3A_109 = arith.mulf %mul3A_108, %mul3A_104 : vector<16xf32>
      %sub3A_110 = arith.constant 1.500000e+00 : f32
      %sub3A_111 = vector.broadcast %sub3A_110 : f32 to vector<16xf32>
      %sub3A_112 = arith.subf %sub3A_111, %mul3A_109 : vector<16xf32>
      %mul3A_113 = arith.mulf %mul3A_104, %sub3A_112 : vector<16xf32>
      %mul3A_114 = arith.constant 5.000000e-01 : f32
      %mul3A_115 = vector.broadcast %mul3A_114 : f32 to vector<16xf32>
      %mul3A_116 = arith.mulf %mul3A_115, %add3A_90 : vector<16xf32>
      %mul3A_117 = arith.mulf %mul3A_116, %mul3A_113 : vector<16xf32>
      %mul3A_118 = arith.mulf %mul3A_117, %mul3A_113 : vector<16xf32>
      %sub3A_119 = arith.constant 1.500000e+00 : f32
      %sub3A_120 = vector.broadcast %sub3A_119 : f32 to vector<16xf32>
      %sub3A_121 = arith.subf %sub3A_120, %mul3A_118 : vector<16xf32>
      %mul3A_122 = arith.mulf %mul3A_113, %sub3A_121 : vector<16xf32>
      %min3A = arith.constant 1.000000e+00 : f32
      %min3A_123 = vector.broadcast %min3A : f32 to vector<16xf32>
      %min3A_124 = arith.minimumf %mul3A_122, %min3A_123 : vector<16xf32>
      %get3A_125 = arith.index_cast %mul3A_83 : i32 to index
      %get3A_126 = tpu.vector_load %arg34[%get3A_125] {strides = array<i32>} : memref<128xf32, #tpu.memory_space<vmem>>, vector<16xf32>,
      %add3A_127 = arith.constant 9.99999993E-9 : f32
      %add3A_128 = vector.broadcast %add3A_127 : f32 to vector<16xf32>
      %add3A_129 = arith.addf %get3A_126, %add3A_128 : vector<16xf32>
      %bitcast_convert_type3A_130 = tpu.bitcast %add3A_129 : vector<16xf32> -> vector<16xi32>
      %shift_right_arithmetic3A_131 = arith.constant 1 : i32
      %shift_right_arithmetic3A_132 = vector.broadcast %shift_right_arithmetic3A_131 : i32 to vector<16xi32>
      %shift_right_arithmetic3A_133 = arith.shrsi %bitcast_convert_type3A_130, %shift_right_arithmetic3A_132 : vector<16xi32>
      %sub3A_134 = arith.constant 1597463007 : i32
      %sub3A_135 = vector.broadcast %sub3A_134 : i32 to vector<16xi32>
      %sub3A_136 = arith.subi %sub3A_135, %shift_right_arithmetic3A_133 : vector<16xi32>
      %bitcast_convert_type3A_137 = tpu.bitcast %sub3A_136 : vector<16xi32> -> vector<16xf32>
      %mul3A_138 = arith.constant 5.000000e-01 : f32
      %mul3A_139 = vector.broadcast %mul3A_138 : f32 to vector<16xf32>
      %mul3A_140 = arith.mulf %mul3A_139, %add3A_129 : vector<16xf32>
      %mul3A_141 = arith.mulf %mul3A_140, %bitcast_convert_type3A_137 : vector<16xf32>
      %mul3A_142 = arith.mulf %mul3A_141, %bitcast_convert_type3A_137 : vector<16xf32>
      %sub3A_143 = arith.constant 1.500000e+00 : f32
      %sub3A_144 = vector.broadcast %sub3A_143 : f32 to vector<16xf32>
      %sub3A_145 = arith.subf %sub3A_144, %mul3A_142 : vector<16xf32>
      %mul3A_146 = arith.mulf %bitcast_convert_type3A_137, %sub3A_145 : vector<16xf32>
      %mul3A_147 = arith.constant 5.000000e-01 : f32
      %mul3A_148 = vector.broadcast %mul3A_147 : f32 to vector<16xf32>
      %mul3A_149 = arith.mulf %mul3A_148, %add3A_129 : vector<16xf32>
      %mul3A_150 = arith.mulf %mul3A_149, %mul3A_146 : vector<16xf32>
      %mul3A_151 = arith.mulf %mul3A_150, %mul3A_146 : vector<16xf32>
      %sub3A_152 = arith.constant 1.500000e+00 : f32
      %sub3A_153 = vector.broadcast %sub3A_152 : f32 to vector<16xf32>
      %sub3A_154 = arith.subf %sub3A_153, %mul3A_151 : vector<16xf32>
      %mul3A_155 = arith.mulf %mul3A_146, %sub3A_154 : vector<16xf32>
      %mul3A_156 = arith.constant 5.000000e-01 : f32
      %mul3A_157 = vector.broadcast %mul3A_156 : f32 to vector<16xf32>
      %mul3A_158 = arith.mulf %mul3A_157, %add3A_129 : vector<16xf32>
      %mul3A_159 = arith.mulf %mul3A_158, %mul3A_155 : vector<16xf32>
      %mul3A_160 = arith.mulf %mul3A_159, %mul3A_155 : vector<16xf32>
      %sub3A_161 = arith.constant 1.500000e+00 : f32
      %sub3A_162 = vector.broadcast %sub3A_161 : f32 to vector<16xf32>
      %sub3A_163 = arith.subf %sub3A_162, %mul3A_160 : vector<16xf32>
      %mul3A_164 = arith.mulf %mul3A_155, %sub3A_163 : vector<16xf32>
      %min3A_165 = arith.constant 1.000000e+00 : f32
      %min3A_166 = vector.broadcast %min3A_165 : f32 to vector<16xf32>
      %min3A_167 = arith.minimumf %mul3A_164, %min3A_166 : vector<16xf32>
      %get3A_168 = arith.index_cast %mul3A_83 : i32 to index
      %get3A_169 = tpu.vector_load %arg35[%get3A_168] {strides = array<i32>} : memref<128xf32, #tpu.memory_space<vmem>>, vector<16xf32>,
      %add3A_170 = arith.constant 9.99999993E-9 : f32
      %add3A_171 = vector.broadcast %add3A_170 : f32 to vector<16xf32>
      %add3A_172 = arith.addf %get3A_169, %add3A_171 : vector<16xf32>
      %bitcast_convert_type3A_173 = tpu.bitcast %add3A_172 : vector<16xf32> -> vector<16xi32>
      %shift_right_arithmetic3A_174 = arith.constant 1 : i32
      %shift_right_arithmetic3A_175 = vector.broadcast %shift_right_arithmetic3A_174 : i32 to vector<16xi32>
      %shift_right_arithmetic3A_176 = arith.shrsi %bitcast_convert_type3A_173, %shift_right_arithmetic3A_175 : vector<16xi32>
      %sub3A_177 = arith.constant 1597463007 : i32
      %sub3A_178 = vector.broadcast %sub3A_177 : i32 to vector<16xi32>
      %sub3A_179 = arith.subi %sub3A_178, %shift_right_arithmetic3A_176 : vector<16xi32>
      %bitcast_convert_type3A_180 = tpu.bitcast %sub3A_179 : vector<16xi32> -> vector<16xf32>
      %mul3A_181 = arith.constant 5.000000e-01 : f32
      %mul3A_182 = vector.broadcast %mul3A_181 : f32 to vector<16xf32>
      %mul3A_183 = arith.mulf %mul3A_182, %add3A_172 : vector<16xf32>
      %mul3A_184 = arith.mulf %mul3A_183, %bitcast_convert_type3A_180 : vector<16xf32>
      %mul3A_185 = arith.mulf %mul3A_184, %bitcast_convert_type3A_180 : vector<16xf32>
      %sub3A_186 = arith.constant 1.500000e+00 : f32
      %sub3A_187 = vector.broadcast %sub3A_186 : f32 to vector<16xf32>
      %sub3A_188 = arith.subf %sub3A_187, %mul3A_185 : vector<16xf32>
      %mul3A_189 = arith.mulf %bitcast_convert_type3A_180, %sub3A_188 : vector<16xf32>
      %mul3A_190 = arith.constant 5.000000e-01 : f32
      %mul3A_191 = vector.broadcast %mul3A_190 : f32 to vector<16xf32>
      %mul3A_192 = arith.mulf %mul3A_191, %add3A_172 : vector<16xf32>
      %mul3A_193 = arith.mulf %mul3A_192, %mul3A_189 : vector<16xf32>
      %mul3A_194 = arith.mulf %mul3A_193, %mul3A_189 : vector<16xf32>
      %sub3A_195 = arith.constant 1.500000e+00 : f32
      %sub3A_196 = vector.broadcast %sub3A_195 : f32 to vector<16xf32>
      %sub3A_197 = arith.subf %sub3A_196, %mul3A_194 : vector<16xf32>
      %mul3A_198 = arith.mulf %mul3A_189, %sub3A_197 : vector<16xf32>
      %mul3A_199 = arith.constant 5.000000e-01 : f32
      %mul3A_200 = vector.broadcast %mul3A_199 : f32 to vector<16xf32>
      %mul3A_201 = arith.mulf %mul3A_200, %add3A_172 : vector<16xf32>
      %mul3A_202 = arith.mulf %mul3A_201, %mul3A_198 : vector<16xf32>
      %mul3A_203 = arith.mulf %mul3A_202, %mul3A_198 : vector<16xf32>
      %sub3A_204 = arith.constant 1.500000e+00 : f32
      %sub3A_205 = vector.broadcast %sub3A_204 : f32 to vector<16xf32>
      %sub3A_206 = arith.subf %sub3A_205, %mul3A_203 : vector<16xf32>
      %mul3A_207 = arith.mulf %mul3A_198, %sub3A_206 : vector<16xf32>
      %min3A_208 = arith.constant 1.000000e+00 : f32
      %min3A_209 = vector.broadcast %min3A_208 : f32 to vector<16xf32>
      %min3A_210 = arith.minimumf %mul3A_207, %min3A_209 : vector<16xf32>
      %get3A_211 = arith.index_cast %mul3A_83 : i32 to index
      %get3A_212 = tpu.vector_load %arg36[%get3A_211] {strides = array<i32>} : memref<128xf32, #tpu.memory_space<vmem>>, vector<16xf32>,
      %add3A_213 = arith.constant 9.99999993E-9 : f32
      %add3A_214 = vector.broadcast %add3A_213 : f32 to vector<16xf32>
      %add3A_215 = arith.addf %get3A_212, %add3A_214 : vector<16xf32>
      %bitcast_convert_type3A_216 = tpu.bitcast %add3A_215 : vector<16xf32> -> vector<16xi32>
      %shift_right_arithmetic3A_217 = arith.constant 1 : i32
      %shift_right_arithmetic3A_218 = vector.broadcast %shift_right_arithmetic3A_217 : i32 to vector<16xi32>
      %shift_right_arithmetic3A_219 = arith.shrsi %bitcast_convert_type3A_216, %shift_right_arithmetic3A_218 : vector<16xi32>
      %sub3A_220 = arith.constant 1597463007 : i32
      %sub3A_221 = vector.broadcast %sub3A_220 : i32 to vector<16xi32>
      %sub3A_222 = arith.subi %sub3A_221, %shift_right_arithmetic3A_219 : vector<16xi32>
      %bitcast_convert_type3A_223 = tpu.bitcast %sub3A_222 : vector<16xi32> -> vector<16xf32>
      %mul3A_224 = arith.constant 5.000000e-01 : f32
      %mul3A_225 = vector.broadcast %mul3A_224 : f32 to vector<16xf32>
      %mul3A_226 = arith.mulf %mul3A_225, %add3A_215 : vector<16xf32>
      %mul3A_227 = arith.mulf %mul3A_226, %bitcast_convert_type3A_223 : vector<16xf32>
      %mul3A_228 = arith.mulf %mul3A_227, %bitcast_convert_type3A_223 : vector<16xf32>
      %sub3A_229 = arith.constant 1.500000e+00 : f32
      %sub3A_230 = vector.broadcast %sub3A_229 : f32 to vector<16xf32>
      %sub3A_231 = arith.subf %sub3A_230, %mul3A_228 : vector<16xf32>
      %mul3A_232 = arith.mulf %bitcast_convert_type3A_223, %sub3A_231 : vector<16xf32>
      %mul3A_233 = arith.constant 5.000000e-01 : f32
      %mul3A_234 = vector.broadcast %mul3A_233 : f32 to vector<16xf32>
      %mul3A_235 = arith.mulf %mul3A_234, %add3A_215 : vector<16xf32>
      %mul3A_236 = arith.mulf %mul3A_235, %mul3A_232 : vector<16xf32>
      %mul3A_237 = arith.mulf %mul3A_236, %mul3A_232 : vector<16xf32>
      %sub3A_238 = arith.constant 1.500000e+00 : f32
      %sub3A_239 = vector.broadcast %sub3A_238 : f32 to vector<16xf32>
      %sub3A_240 = arith.subf %sub3A_239, %mul3A_237 : vector<16xf32>
      %mul3A_241 = arith.mulf %mul3A_232, %sub3A_240 : vector<16xf32>
      %mul3A_242 = arith.constant 5.000000e-01 : f32
      %mul3A_243 = vector.broadcast %mul3A_242 : f32 to vector<16xf32>
      %mul3A_244 = arith.mulf %mul3A_243, %add3A_215 : vector<16xf32>
      %mul3A_245 = arith.mulf %mul3A_244, %mul3A_241 : vector<16xf32>
      %mul3A_246 = arith.mulf %mul3A_245, %mul3A_241 : vector<16xf32>
      %sub3A_247 = arith.constant 1.500000e+00 : f32
      %sub3A_248 = vector.broadcast %sub3A_247 : f32 to vector<16xf32>
      %sub3A_249 = arith.subf %sub3A_248, %mul3A_246 : vector<16xf32>
      %mul3A_250 = arith.mulf %mul3A_241, %sub3A_249 : vector<16xf32>
      %min3A_251 = arith.constant 1.000000e+00 : f32
      %min3A_252 = vector.broadcast %min3A_251 : f32 to vector<16xf32>
      %min3A_253 = arith.minimumf %mul3A_250, %min3A_252 : vector<16xf32>
      %swap3A = arith.index_cast %mul3A_83 : i32 to index
      %swap3A_254 = tpu.vector_load %arg51[%swap3A] {strides = array<i32>} : memref<128xf32, #tpu.memory_space<vmem>>, vector<16xf32>,
      tpu.vector_store %arg51[%swap3A], %min3A_124 {strides = array<i32>} : memref<128xf32, #tpu.memory_space<vmem>>, vector<16xf32>,
      %swap3A_255 = arith.index_cast %mul3A_83 : i32 to index
      %swap3A_256 = tpu.vector_load %arg52[%swap3A_255] {strides = array<i32>} : memref<128xf32, #tpu.memory_space<vmem>>, vector<16xf32>,
      tpu.vector_store %arg52[%swap3A_255], %min3A_167 {strides = array<i32>} : memref<128xf32, #tpu.memory_space<vmem>>, vector<16xf32>,
      %swap3A_257 = arith.index_cast %mul3A_83 : i32 to index
      %swap3A_258 = tpu.vector_load %arg53[%swap3A_257] {strides = array<i32>} : memref<128xf32, #tpu.memory_space<vmem>>, vector<16xf32>,
      tpu.vector_store %arg53[%swap3A_257], %min3A_210 {strides = array<i32>} : memref<128xf32, #tpu.memory_space<vmem>>, vector<16xf32>,
      %swap3A_259 = arith.index_cast %mul3A_83 : i32 to index
      %swap3A_260 = tpu.vector_load %arg54[%swap3A_259] {strides = array<i32>} : memref<128xf32, #tpu.memory_space<vmem>>, vector<16xf32>,
      tpu.vector_store %arg54[%swap3A_259], %min3A_253 {strides = array<i32>} : memref<128xf32, #tpu.memory_space<vmem>>, vector<16xf32>,
      %broadcast_in_dim3A_261 = arith.constant 0.000000e+00 : f32
      %broadcast_in_dim3A_262 = vector.broadcast %broadcast_in_dim3A_261 : f32 to vector<16xf32>
      %scan3A_263 = arith.constant 0 : i32
      %scan3A_264 = arith.constant 64 : i32
      %scan3A_265 = arith.addi %scan3A_263, %scan3A_264 : i32
      %scan3A_266 = arith.constant 1 : i32
      %scan3A_267:2 = scf.for %scan3A_280 = %scan3A_263 to %scan3A_265 step %scan3A_266 iter_args(%scan3A_281 = %broadcast_in_dim3A_262, %scan3A_282 = %broadcast_in_dim3A_262) -> (vector<16xf32>, vector<16xf32>)  : i32 {
        %broadcast_in_dim3A_283 = vector.broadcast %scan3A_280 : i32 to vector<16xi32>
        %gather3A = tpu.vector_load_idx %arg38[%add3A_85, %broadcast_in_dim3A_283] : memref<128x64xf32, #tpu.memory_space<vmem>>[vector<16xi32>, vector<16xi32>], vector<16xf32>,
        %gather3A_284 = tpu.vector_load_idx %arg39[%add3A_85, %broadcast_in_dim3A_283] : memref<128x64xf32, #tpu.memory_space<vmem>>[vector<16xi32>, vector<16xi32>], vector<16xf32>,
        %gather3A_285 = tpu.vector_load_idx %arg45[%add3A_85, %broadcast_in_dim3A_283] : memref<128x64xf32, #tpu.memory_space<vmem>>[vector<16xi32>, vector<16xi32>], vector<16xf32>,
        %gather3A_286 = tpu.vector_load_idx %arg46[%add3A_85, %broadcast_in_dim3A_283] : memref<128x64xf32, #tpu.memory_space<vmem>>[vector<16xi32>, vector<16xi32>], vector<16xf32>,
        %gather3A_287 = tpu.vector_load_idx %arg42[%add3A_85, %broadcast_in_dim3A_283] : memref<128x64xf32, #tpu.memory_space<vmem>>[vector<16xi32>, vector<16xi32>], vector<16xf32>,
        %mul3A_288 = arith.mulf %min3A_124, %gather3A_286 : vector<16xf32>
        %add3A_289 = arith.addf %gather3A, %mul3A_288 : vector<16xf32>
        %mul3A_290 = arith.mulf %min3A_167, %gather3A_285 : vector<16xf32>
        %add3A_291 = arith.addf %add3A_289, %mul3A_290 : vector<16xf32>
        %mul3A_292 = arith.mulf %gather3A_284, %add3A_291 : vector<16xf32>
        %add3A_293 = arith.addf %scan3A_281, %mul3A_292 : vector<16xf32>
        %mul3A_294 = arith.mulf %gather3A_287, %gather3A : vector<16xf32>
        %add3A_295 = arith.addf %scan3A_282, %mul3A_294 : vector<16xf32>
        scf.yield %add3A_293, %add3A_295 : vector<16xf32>, vector<16xf32>
      }
      %scan3A_268 = arith.constant 64 : i32
      %get3A_269 = arith.index_cast %mul3A_83 : i32 to index
      %get3A_270 = tpu.vector_load %arg43[%get3A_269] {strides = array<i32>} : memref<128xf32, #tpu.memory_space<vmem>>, vector<16xf32>,
      %add3A_271 = arith.addf %scan3A_267#0, %get3A_270 : vector<16xf32>
      %get3A_272 = arith.index_cast %mul3A_83 : i32 to index
      %get3A_273 = tpu.vector_load %arg44[%get3A_272] {strides = array<i32>} : memref<128xf32, #tpu.memory_space<vmem>>, vector<16xf32>,
      %add3A_274 = arith.addf %add3A_271, %get3A_273 : vector<16xf32>
      %add3A_275 = arith.addf %add3A_274, %get3A_71 : vector<16xf32>
      %swap3A_276 = arith.index_cast %mul3A_83 : i32 to index
      %swap3A_277 = tpu.vector_load %arg55[%swap3A_276] {strides = array<i32>} : memref<128xf32, #tpu.memory_space<vmem>>, vector<16xf32>,
      tpu.vector_store %arg55[%swap3A_276], %add3A_275 {strides = array<i32>} : memref<128xf32, #tpu.memory_space<vmem>>, vector<16xf32>,
      %swap3A_278 = arith.index_cast %mul3A_83 : i32 to index
      %swap3A_279 = tpu.vector_load %arg56[%swap3A_278] {strides = array<i32>} : memref<128xf32, #tpu.memory_space<vmem>>, vector<16xf32>,
      tpu.vector_store %arg56[%swap3A_278], %scan3A_267#1 {strides = array<i32>} : memref<128xf32, #tpu.memory_space<vmem>>, vector<16xf32>,
    }
    %scan3A_76 = arith.constant 8 : i32
    "tpu.region"() ({
      %run_scoped3A = tpu.sem_alloc : memref<!tpu.dma_semaphore, #tpu.memory_space<semaphore_mem>>
      %dma_start3A_77 = tpu.memref_slice %arg17[%mul3A_2] : memref<4096xf32, #tpu.memory_space<hbm>> -> memref<128xf32, #tpu.memory_space<hbm>>
      %dma_start3A_78 = tpu.memref_slice %arg17[%mul3A_2] : memref<4096xf32, #tpu.memory_space<hbm>> -> memref<128xf32, #tpu.memory_space<hbm>>
      tpu.enqueue_dma source(%arg55 : memref<128xf32, #tpu.memory_space<vmem>>) target(%dma_start3A_78 : memref<128xf32, #tpu.memory_space<hbm>>) target_semaphore(%run_scoped3A : memref<!tpu.dma_semaphore, #tpu.memory_space<semaphore_mem>>)
      %dma_wait3A_79 = tpu.memref_slice %arg17[%mul3A_2] : memref<4096xf32, #tpu.memory_space<hbm>> -> memref<128xf32, #tpu.memory_space<hbm>>
      %dma_wait3A_80 = tpu.memref_slice %arg17[%mul3A_2] : memref<4096xf32, #tpu.memory_space<hbm>> -> memref<128xf32, #tpu.memory_space<hbm>>
      tpu.wait_dma2 semaphore(%run_scoped3A : memref<!tpu.dma_semaphore, #tpu.memory_space<semaphore_mem>>) src(%arg55 : memref<128xf32, #tpu.memory_space<vmem>>) dst(%dma_wait3A_80 : memref<128xf32, #tpu.memory_space<hbm>>)
      tpu.yield
    }) : () -> ()
    "tpu.region"() ({
      %run_scoped3A = tpu.sem_alloc : memref<!tpu.dma_semaphore, #tpu.memory_space<semaphore_mem>>
      %dma_start3A_77 = tpu.memref_slice %arg18[%mul3A_2] : memref<4096xf32, #tpu.memory_space<hbm>> -> memref<128xf32, #tpu.memory_space<hbm>>
      %dma_start3A_78 = tpu.memref_slice %arg18[%mul3A_2] : memref<4096xf32, #tpu.memory_space<hbm>> -> memref<128xf32, #tpu.memory_space<hbm>>
      tpu.enqueue_dma source(%arg56 : memref<128xf32, #tpu.memory_space<vmem>>) target(%dma_start3A_78 : memref<128xf32, #tpu.memory_space<hbm>>) target_semaphore(%run_scoped3A : memref<!tpu.dma_semaphore, #tpu.memory_space<semaphore_mem>>)
      %dma_wait3A_79 = tpu.memref_slice %arg18[%mul3A_2] : memref<4096xf32, #tpu.memory_space<hbm>> -> memref<128xf32, #tpu.memory_space<hbm>>
      %dma_wait3A_80 = tpu.memref_slice %arg18[%mul3A_2] : memref<4096xf32, #tpu.memory_space<hbm>> -> memref<128xf32, #tpu.memory_space<hbm>>
      tpu.wait_dma2 semaphore(%run_scoped3A : memref<!tpu.dma_semaphore, #tpu.memory_space<semaphore_mem>>) src(%arg56 : memref<128xf32, #tpu.memory_space<vmem>>) dst(%dma_wait3A_80 : memref<128xf32, #tpu.memory_space<hbm>>)
      tpu.yield
    }) : () -> ()
    "tpu.region"() ({
      %run_scoped3A = tpu.sem_alloc : memref<!tpu.dma_semaphore, #tpu.memory_space<semaphore_mem>>
      %dma_start3A_77 = tpu.memref_slice %arg21[%mul3A_2] : memref<4096xf32, #tpu.memory_space<hbm>> -> memref<128xf32, #tpu.memory_space<hbm>>
      %dma_start3A_78 = tpu.memref_slice %arg21[%mul3A_2] : memref<4096xf32, #tpu.memory_space<hbm>> -> memref<128xf32, #tpu.memory_space<hbm>>
      tpu.enqueue_dma source(%arg51 : memref<128xf32, #tpu.memory_space<vmem>>) target(%dma_start3A_78 : memref<128xf32, #tpu.memory_space<hbm>>) target_semaphore(%run_scoped3A : memref<!tpu.dma_semaphore, #tpu.memory_space<semaphore_mem>>)
      %dma_wait3A_79 = tpu.memref_slice %arg21[%mul3A_2] : memref<4096xf32, #tpu.memory_space<hbm>> -> memref<128xf32, #tpu.memory_space<hbm>>
      %dma_wait3A_80 = tpu.memref_slice %arg21[%mul3A_2] : memref<4096xf32, #tpu.memory_space<hbm>> -> memref<128xf32, #tpu.memory_space<hbm>>
      tpu.wait_dma2 semaphore(%run_scoped3A : memref<!tpu.dma_semaphore, #tpu.memory_space<semaphore_mem>>) src(%arg51 : memref<128xf32, #tpu.memory_space<vmem>>) dst(%dma_wait3A_80 : memref<128xf32, #tpu.memory_space<hbm>>)
      tpu.yield
    }) : () -> ()
    "tpu.region"() ({
      %run_scoped3A = tpu.sem_alloc : memref<!tpu.dma_semaphore, #tpu.memory_space<semaphore_mem>>
      %dma_start3A_77 = tpu.memref_slice %arg22[%mul3A_2] : memref<4096xf32, #tpu.memory_space<hbm>> -> memref<128xf32, #tpu.memory_space<hbm>>
      %dma_start3A_78 = tpu.memref_slice %arg22[%mul3A_2] : memref<4096xf32, #tpu.memory_space<hbm>> -> memref<128xf32, #tpu.memory_space<hbm>>
      tpu.enqueue_dma source(%arg52 : memref<128xf32, #tpu.memory_space<vmem>>) target(%dma_start3A_78 : memref<128xf32, #tpu.memory_space<hbm>>) target_semaphore(%run_scoped3A : memref<!tpu.dma_semaphore, #tpu.memory_space<semaphore_mem>>)
      %dma_wait3A_79 = tpu.memref_slice %arg22[%mul3A_2] : memref<4096xf32, #tpu.memory_space<hbm>> -> memref<128xf32, #tpu.memory_space<hbm>>
      %dma_wait3A_80 = tpu.memref_slice %arg22[%mul3A_2] : memref<4096xf32, #tpu.memory_space<hbm>> -> memref<128xf32, #tpu.memory_space<hbm>>
      tpu.wait_dma2 semaphore(%run_scoped3A : memref<!tpu.dma_semaphore, #tpu.memory_space<semaphore_mem>>) src(%arg52 : memref<128xf32, #tpu.memory_space<vmem>>) dst(%dma_wait3A_80 : memref<128xf32, #tpu.memory_space<hbm>>)
      tpu.yield
    }) : () -> ()
    "tpu.region"() ({
      %run_scoped3A = tpu.sem_alloc : memref<!tpu.dma_semaphore, #tpu.memory_space<semaphore_mem>>
      %dma_start3A_77 = tpu.memref_slice %arg25[%mul3A_2] : memref<4096xf32, #tpu.memory_space<hbm>> -> memref<128xf32, #tpu.memory_space<hbm>>
      %dma_start3A_78 = tpu.memref_slice %arg25[%mul3A_2] : memref<4096xf32, #tpu.memory_space<hbm>> -> memref<128xf32, #tpu.memory_space<hbm>>
      tpu.enqueue_dma source(%arg53 : memref<128xf32, #tpu.memory_space<vmem>>) target(%dma_start3A_78 : memref<128xf32, #tpu.memory_space<hbm>>) target_semaphore(%run_scoped3A : memref<!tpu.dma_semaphore, #tpu.memory_space<semaphore_mem>>)
      %dma_wait3A_79 = tpu.memref_slice %arg25[%mul3A_2] : memref<4096xf32, #tpu.memory_space<hbm>> -> memref<128xf32, #tpu.memory_space<hbm>>
      %dma_wait3A_80 = tpu.memref_slice %arg25[%mul3A_2] : memref<4096xf32, #tpu.memory_space<hbm>> -> memref<128xf32, #tpu.memory_space<hbm>>
      tpu.wait_dma2 semaphore(%run_scoped3A : memref<!tpu.dma_semaphore, #tpu.memory_space<semaphore_mem>>) src(%arg53 : memref<128xf32, #tpu.memory_space<vmem>>) dst(%dma_wait3A_80 : memref<128xf32, #tpu.memory_space<hbm>>)
      tpu.yield
    }) : () -> ()
    "tpu.region"() ({
      %run_scoped3A = tpu.sem_alloc : memref<!tpu.dma_semaphore, #tpu.memory_space<semaphore_mem>>
      %dma_start3A_77 = tpu.memref_slice %arg26[%mul3A_2] : memref<4096xf32, #tpu.memory_space<hbm>> -> memref<128xf32, #tpu.memory_space<hbm>>
      %dma_start3A_78 = tpu.memref_slice %arg26[%mul3A_2] : memref<4096xf32, #tpu.memory_space<hbm>> -> memref<128xf32, #tpu.memory_space<hbm>>
      tpu.enqueue_dma source(%arg54 : memref<128xf32, #tpu.memory_space<vmem>>) target(%dma_start3A_78 : memref<128xf32, #tpu.memory_space<hbm>>) target_semaphore(%run_scoped3A : memref<!tpu.dma_semaphore, #tpu.memory_space<semaphore_mem>>)
      %dma_wait3A_79 = tpu.memref_slice %arg26[%mul3A_2] : memref<4096xf32, #tpu.memory_space<hbm>> -> memref<128xf32, #tpu.memory_space<hbm>>
      %dma_wait3A_80 = tpu.memref_slice %arg26[%mul3A_2] : memref<4096xf32, #tpu.memory_space<hbm>> -> memref<128xf32, #tpu.memory_space<hbm>>
      tpu.wait_dma2 semaphore(%run_scoped3A : memref<!tpu.dma_semaphore, #tpu.memory_space<semaphore_mem>>) src(%arg54 : memref<128xf32, #tpu.memory_space<vmem>>) dst(%dma_wait3A_80 : memref<128xf32, #tpu.memory_space<hbm>>)
      tpu.yield
    }) : () -> ()
    return
  }
}

</mosaic_0001>

<sc_bundles>
// kernel: kernel.3.cloned.1.call-start
scs
__scs_entry_jumppad:
0x0: {  	(pc) =	sbr.rel $0x88, $3  }
0x1: {  	(tag) =	ssettag $0x0;
	lr =	simm.s32 $0x1  }
0x2: {  	[smem:$0x3F92] =	sst lr;
	_ =	strace $0xD0000000  }
0x3: {  	_ = 	snop  }
0x4: {  	_ = 	snop  }
0x5: {  	_ = 	snop  }
0x6: {  	_ = 	snop  }
0x7: {  	_ = 	snop  }
__scs_overlays_trampoline_lowered:
0x8: {  	[smem:$0x3FA1] =	sst s0  }
0x9: {  	[smem:$0x3FA2] =	sst s1  }
0xa: {  	[smem:$0x3FA3] =	sst s2  }
0xb: {  	[smem:$0x3FA4] =	sst s3  }
0xc: {  	[smem:$0x3FA5] =	sst s4  }
0xd: {  	[smem:$0x3FA6] =	sst s5  }
0xe: {  	[smem:$0x3FA7] =	sst s6  }
0xf: {  	[smem:$0x3FA8] =	sst s7  }
0x10: {  	[smem:$0x3FA9] =	sst s8  }
0x11: {  	[smem:$0x3FAA] =	sst s9;
	s0 =	simm.s32 @!p0 $0x0  }
0x12: {  	s1 =	sld [smem:$0x3F90];
	s0 =	simm.s32 @p0 $0x1  }
0x13: {  	[smem:$0x3FAB] =	sst s0;
	s0 =	simm.s32 @!p1 $0x0  }
0x14: {  	s2 =	sld [smem:$0x3F8F];
	s0 =	simm.s32 @p1 $0x1  }
0x15: {  	[smem:$0x3FAC] =	sst s0;
	s0 =	simm.s32 @!p2 $0x0  }
0x16: {  	s3 =	sld [smem:$0x3FDB];
	s0 =	simm.s32 @p2 $0x1  }
0x17: {  	s4 =	simm.s32 $0x1BF5;
	[smem:$0x3FAE] =	sst s0  }
0x18: {  	s0 =	sld [smem:$0x3F91];
	_ =	swait.ge [sflag:s4], $0x0  }
0x19: {  	s7 =	sld [smem:$0x3F92]  }
0x1a: {  	s8 =	sadd.s32 $0xFFFFE003, lr  }
0x1b: {  	s9 =	sadd.s32 $0xFFFFFEF7, lr;
	s5 =	simm.s32 $0xFFFFFFFF;
	p2 =	slt.u32 s8, $0xFFFFF086  }
0x1c: {  	p1 =	slt.u32 s9, $0xF7A;
	s5 =	simm.s32 @!p2 $0x0  }
0x1d: {  	s5 =	simm.s32 @p1 $0x1;
	p0 =	seq.s32 s7, s2  }
0x1e: {  	s7 =	smul.u32 @!p0 $0xF7A, s2;
	p2 =	seq.s32 @!p0 s5, $0x0  }
0x1f: {  	s9 =	smul.u32 $0xF7A, s1;
	s8 =	simm.s32 @!p0 $0x1BF5;
	p2 =	por !p2, p0  }
0x20: {  	[sflag:s8] =	ssyncset.s32 @!p0 $0xFFFFF086;
	s6 =	sadd.s32 @!p0 s3, s7;
	s7 =	simm.s32 @!p0 $0x108  }
0x21: {  	s3 =	sadd.s32 s3, s9;
	s6 =	sadd.s32 @!p0 $0x88, s6;
	s7 =	simm.s32 @p2 $0x1082  }
0x22: {  	[simem:s7], [sflag:s8] =	dma.local @!p0 [hbm:s6], $0xF7A  }
0x23: {  	s9 =	sor.u32 $0xD0000000, s2;
	s6 =	simm.s32 $0x108;
	_ =	swait.ge @!p0 [sflag:s8], $0x0  }
0x24: {  	s3 =	sadd.s32 $0x88, s3;
	s6 =	simm.s32 @!p1 $0x1082;
	[sflag:s4] =	ssyncset.s32 $0xFFFFF086  }
0x25: {  	[simem:s6], [sflag:s4] =	dma.local [hbm:s3], $0xF7A  }
0x26: {  	[smem:$0x3F92] =	sst s1;
	(tag) =	ssettag s2;
	_ =	strace s9  }
0x27: {  	s1 =	sld [smem:$0x3FA2]  }
0x28: {  	s2 =	sld [smem:$0x3FA3]  }
0x29: {  	s4 =	sld [smem:$0x3FA5]  }
0x2a: {  	p0 =	seq.s32 s5, $0x0;
	s5 =	sld [smem:$0x3FA6]  }
0x2b: {  	s6 =	sld [smem:$0x3FA7]  }
0x2c: {  	s7 =	sld [smem:$0x3FA8]  }
0x2d: {  	s3 =	simm.s32 $0x108;
	s8 =	sld [smem:$0x3FA9]  }
0x2e: {  	s3 =	simm.s32 @!p0 $0x1082;
	s9 =	sld [smem:$0x3FAA]  }
0x2f: {  	lr =	sadd.s32 s0, s3;
	s0 =	sld [smem:$0x3FA1]  }
0x30: {  	s3 =	sld [smem:$0x3FA4]  }
0x31: {  	[smem:$0x3FAD] =	sst s10  }
0x32: {  	s10 =	sld [smem:$0x3FAB];
	_ =	sdelay $0x3  }
0x33: {  	p0 =	seq.s32 s10, $0x1;
	s10 =	sld [smem:$0x3FAD];
	_ =	sdelay $0x3  }
0x34: {  	[smem:$0x3FAD] =	sst s10  }
0x35: {  	s10 =	sld [smem:$0x3FAC];
	_ =	sdelay $0x3  }
0x36: {  	p1 =	seq.s32 s10, $0x1;
	s10 =	sld [smem:$0x3FAD];
	_ =	sdelay $0x3  }
0x37: {  	[smem:$0x3FAD] =	sst s10  }
0x38: {  	s10 =	sld [smem:$0x3FAE]  }
0x39: {  	_ = 	snop;
	(pc) =	sbr.ind lr, $3  }
0x3a: {  	_ = 	snop  }
0x3b: {  	_ = 	snop  }
0x3c: {  	p2 =	seq.s32 s10, $0x1;
	s10 =	sld [smem:$0x3FAD]  }
0x3d: {  	_ =	shalt  }
0x3e: {  	_ =	shalt  }
0x3f: {  	_ =	shalt  }
0x40: {  	_ =	shalt  }
0x41: {  	_ =	shalt  }
0x42: {  	_ =	shalt  }
0x43: {  	_ =	shalt  }
0x44: {  	_ =	shalt  }
0x45: {  	_ =	shalt  }
0x46: {  	_ =	shalt  }
0x47: {  	_ =	shalt  }
0x48: {  	_ =	shalt  }
0x49: {  	_ =	shalt  }
0x4a: {  	_ =	shalt  }
0x4b: {  	_ =	shalt  }
0x4c: {  	_ =	shalt  }
0x4d: {  	_ =	shalt  }
0x4e: {  	_ =	shalt  }
0x4f: {  	_ =	shalt  }
0x50: {  	_ =	shalt  }
0x51: {  	_ =	shalt  }
0x52: {  	_ =	shalt  }
0x53: {  	_ =	shalt  }
0x54: {  	_ =	shalt  }
0x55: {  	_ =	shalt  }
0x56: {  	_ =	shalt  }
0x57: {  	_ =	shalt  }
0x58: {  	_ =	shalt  }
0x59: {  	_ =	shalt  }
0x5a: {  	_ =	shalt  }
0x5b: {  	_ =	shalt  }
0x5c: {  	_ =	shalt  }
0x5d: {  	_ =	shalt  }
0x5e: {  	_ =	shalt  }
0x5f: {  	_ =	shalt  }
0x60: {  	_ =	shalt  }
0x61: {  	_ =	shalt  }
0x62: {  	_ =	shalt  }
0x63: {  	_ =	shalt  }
0x64: {  	_ =	shalt  }
0x65: {  	_ =	shalt  }
0x66: {  	_ =	shalt  }
0x67: {  	_ =	shalt  }
0x68: {  	_ =	shalt  }
0x69: {  	_ =	shalt  }
0x6a: {  	_ =	shalt  }
0x6b: {  	_ =	shalt  }
0x6c: {  	_ =	shalt  }
0x6d: {  	_ =	shalt  }
0x6e: {  	_ =	shalt  }
0x6f: {  	_ =	shalt  }
0x70: {  	_ =	shalt  }
0x71: {  	_ =	shalt  }
0x72: {  	_ =	shalt  }
0x73: {  	_ =	shalt  }
0x74: {  	_ =	shalt  }
0x75: {  	_ =	shalt  }
0x76: {  	_ =	shalt  }
0x77: {  	_ =	shalt  }
0x78: {  	_ =	shalt  }
0x79: {  	_ =	shalt  }
0x7a: {  	_ =	shalt  }
0x7b: {  	_ =	shalt  }
0x7c: {  	_ =	shalt  }
0x7d: {  	_ =	shalt  }
0x7e: {  	_ =	shalt  }
0x7f: {  	_ =	shalt  }
0x80: {  	_ =	shalt  }
0x81: {  	_ =	shalt  }
0x82: {  	_ =	shalt  }
0x83: {  	_ =	shalt  }
0x84: {  	_ =	shalt  }
0x85: {  	_ =	shalt  }
0x86: {  	_ =	shalt  }
0x87: {  	_ =	shalt  }
.Lfunc_end0:
.L_simem_size_0:
called_computation_lowered:
.L_overlay_start_0:
0x88: {  	s2 =	sld [smem:$0x3FD9]  }
0x89: {  	s3 =	sld [smem:$0x3FFE];
	_ =	sdelay $0x1  }
0x8a: {  	s1 =	srdreg.scid  }
0x8b: {  	s0 =	sand.u32 $0x1, s1  }
0x8c: {  	s28 =	sshll.u32 s0, $0xA;
	s2 =	sadd.s32 s3, s2  }
0x8d: {  	s2 =	sadd.s32 s2, s28  }
0x8e: {  	[smem:$0x3FB9] =	sst s2  }
0x8f: {  	_ = 	snop  }
0x90: {  	s6 =	sld [smem:$0x3FC9]  }
0x91: {  	s7 =	sld [smem:$0x3FC8]  }
0x92: {  	s2 =	sld [smem:$0x3FC6]  }
0x93: {  	s15 =	sld [smem:$0x3FD0]  }
0x94: {  	s3 =	sld [smem:$0x3FC4]  }
0x95: {  	s4 =	sld [smem:$0x3FC3]  }
0x96: {  	s19 =	simm.s32 $0xA;
	s17 =	simm.s32 $0x10;
	s5 =	sld [smem:$0x3FC2]  }
0x97: {  	[smem:s17], [sflag:s19] =	dma.local [hbm:s15], $0x1  }
0x98: {  	_ =	swait.eq [sflag:s19], $0x1  }
0x99: {  	s8 =	sld [smem:$0x10]  }
0x9a: {  	s9 =	sld [smem:$0x11]  }
0x9b: {  	s10 =	sld [smem:$0x12]  }
0x9c: {  	s11 =	sld [smem:$0x13]  }
0x9d: {  	s12 =	sld [smem:$0x14]  }
0x9e: {  	s16 =	sld [smem:$0x15];
	[sflag:s19] =	ssyncset.done $0x0  }
0x9f: {  	s13 =	sld [smem:$0x16];
	[sflag:s19] =	ssyncadd.s32 $0xFFFFFFFF  }
0xa0: {  	s15 =	sadd.s32 $0x1, s15;
	s14 =	sld [smem:$0x17]  }
0xa1: {  	[smem:s17], [sflag:s19] =	dma.local [hbm:s15], $0x1  }
0xa2: {  	_ =	swait.eq [sflag:s19], $0x1  }
0xa3: {  	s17 =	sld [smem:$0x10]  }
0xa4: {  	s18 =	sld [smem:$0x11];
	[sflag:s19] =	ssyncset.done $0x0  }
0xa5: {  	s20 =	sld [smem:$0x12];
	[sflag:s19] =	ssyncadd.s32 $0xFFFFFFFF  }
0xa6: {  	s19 =	sld [smem:$0x13];
	(tm) =	ssettm $0x1  }
0xa7: {  	s29 =	sld [smem:$0x3FFB];
	_ =	sdelay $0x3  }
0xa8: {  	_ =	strace s29  }
0xa9: {  	s15 =	sld [smem:$0x3FFC];
	_ =	sdelay $0x3  }
0xaa: {  	_ =	strace s15  }
0xab: {  	s15 =	sld [smem:$0x3FFD];
	_ =	sdelay $0x3  }
0xac: {  	_ =	strace s15  }
0xad: {  	_ =	strace $0x8FFFFFFF  }
0xae: {  	s30 =	sld [smem:$0x3FDB];
	_ =	sdelay $0x1  }
0xaf: {  	s21 =	simm.s32 $_scs_section_size  }
0xb0: {  	s22 =	simm.s32 $_size__tile_task_arg_handler_lowered;
	s23 =	simm.s32 $_tile_task_arg_handler_lowered  }
0xb1: {  	s26 =	simm.s32 $0x1BFF;
	s25 =	sshll.u32 s23, $0x1;
	s21 =	sadd.s32 s21, s30  }
0xb2: {  	s24 =	simm.s32 $0x60;
	s31 =	sshll.u32 s22, $0x1;
	s22 =	sadd.s32 s25, s21  }
0xb3: {  	[timem:s24], [sflag:s26] =	dma.local [hbm:s22], s31  }
0xb4: {  	_ =	swait.ge [sflag:s26], s31  }
0xb5: {  	s28 =	simm.s32 $_tile_overlayer_lowered;
	s15 =	ssub.s32 $0x0, s31;
	[sflag:s26] =	ssyncset.done $0x0  }
0xb6: {  	s29 =	simm.s32 $_size__tile_overlayer_lowered;
	s22 =	sshll.u32 s28, $0x1;
	[sflag:s26] =	ssyncadd.s32 s15  }
0xb7: {  	s30 =	sshll.u32 s29, $0x1;
	s22 =	sadd.s32 s22, s21;
	s15 =	simm.s32 $0x0  }
0xb8: {  	[timem:s15], [sflag:s26] =	dma.local [hbm:s22], s30  }
0xb9: {  	_ =	swait.ge [sflag:s26], s30  }
0xba: {  	s31 =	ssub.s32 $0x0, s30;
	[sflag:s26] =	ssyncset.done $0x0  }
0xbb: {  	[sflag:s26] =	ssyncadd.s32 s31;
	_ =	sdelay $0x1  }
0xbc: {  	s23 =	simm.s32 $0x1B8B  }
0xbd: {  	_ =	swait.ge [sflag:s23], $0x1  }
0xbe: {  	[sflag:s23] =	ssyncset.done $0x0  }
0xbf: {  	s25 =	simm.s32 $0x1B8E;
	s24 =	sld [smem:$0x3FFE];
	[sflag:s23] =	ssyncadd.s32 $0xFFFFFFFF  }
0xc0: {  	s26 =	simm.s32 $execute0_lowered;
	[smem:$0x3FD2] =	sst s25  }
0xc1: {  	s23 =	sshll.u32 s26, $0x1;
	_ =	strace $0x80000046;
	[dreg:$0x1] =	wrdreg $0xFFFFFFFF  }
0xc2: {  	s28 =	simm.s32 $_size_execute0_lowered;
	s21 =	sadd.s32 s21, s23;
	[dreg:$0x0] =	wrdreg $0x0  }
0xc3: {  	s23 =	sshll.u32 s28, $0x1;
	[dreg:$0x2] =	wrdreg s21  }
0xc4: {  	[dreg:$0x3] =	wrdreg s23  }
0xc5: {  	[dreg:$0x4] =	wrdreg $0xC0  }
0xc6: {  	_ =	task [dreg:s15], $0x5FFFF  }
0xc7: {  	[dreg:$0x1] =	wrdreg $0xFFFFFFFF  }
0xc8: {  	[dreg:$0x0] =	wrdreg $0x30  }
0xc9: {  	[dreg:$0x2] =	wrdreg $0x0  }
0xca: {  	[dreg:$0x3] =	wrdreg s16  }
0xcb: {  	[dreg:$0x4] =	wrdreg s19  }
0xcc: {  	[dreg:$0x5] =	wrdreg s20  }
0xcd: {  	[dreg:$0x6] =	wrdreg s17  }
0xce: {  	[dreg:$0x7] =	wrdreg s18  }
0xcf: {  	[dreg:$0x8] =	wrdreg $0x9  }
0xd0: {  	_ =	task [dreg:s15], $0x9FFFF  }
0xd1: {  	[dreg:$0x1] =	wrdreg $0xFFFFFFFF  }
0xd2: {  	[dreg:$0x0] =	wrdreg $0x60  }
0xd3: {  	[dreg:$0x2] =	wrdreg s6  }
0xd4: {  	[dreg:$0x3] =	wrdreg s7  }
0xd5: {  	[dreg:$0x4] =	wrdreg s14  }
0xd6: {  	[dreg:$0x5] =	wrdreg s13  }
0xd7: {  	[dreg:$0x6] =	wrdreg s2  }
0xd8: {  	[dreg:$0x7] =	wrdreg s3  }
0xd9: {  	[dreg:$0x8] =	wrdreg s4  }
0xda: {  	[dreg:$0x9] =	wrdreg s5  }
0xdb: {  	[dreg:$0xa] =	wrdreg s24  }
0xdc: {  	[dreg:$0xb] =	wrdreg s8  }
0xdd: {  	[dreg:$0xc] =	wrdreg s9  }
0xde: {  	[dreg:$0xd] =	wrdreg s10  }
0xdf: {  	[dreg:$0xe] =	wrdreg s11  }
0xe0: {  	[dreg:$0xf] =	wrdreg s12  }
0xe1: {  	_ =	task.clear_ibuf [dreg:s15], $0x10FFFF;
	_ =	strace $0x90000046  }
0xe2: {  	s29 =	simm.s32 $0x9;
	_ =	strace $0x80000048  }
0xe3: {  	_ =	swait.ge [sflag:s29], $0x1  }
0xe4: {  	[sflag:s29] =	ssyncadd.s32 $0xFFFFFFFF  }
0xe5: {  	_ =	strace $0x90000048  }
0xe6: {  	_ =	sfence  }
0xe7: {  	s30 =	sld [smem:$0x0];
	_ =	sdelay $0x2  }
0xe8: {  	s31 =	sshll.u32 s1, $0xD;
	s1 =	sshrl.u32 s1, $0x2  }
0xe9: {  	s3 =	sand.u32 $0x4000, s31;
	s1 =	sadd.s32 s1, s30  }
0xea: {  	s0 =	sor.u32 s3, s0;
	s1 =	sshll.u32 s1, $0x11  }
0xeb: {  	s0 =	sor.u32 s1, s0  }
0xec: {  	s0 =	sadd.s32 $0x8F2B, s0  }
0xed: {  	[sflag:s0] =	ssyncadd.remote.s32 $0x1  }
0xee: {  	_ =	sfence.sel $0xFFFF  }
0xef: {  	[dreg:$0x0] =	wrdreg $0xFFFFFFFF;
	(pc) =	sbr.abs _section_cstart, $3  }
0xf0: {  	[dreg:$0x1] =	wrdreg $0xFFFFFFFF  }
0xf1: {  	_ =	task.clear_ibuf [dreg:s15], $0x2FFFF;
	_ =	strace $0x9FFFFFFF  }
0xf2: {  	(tm) =	ssettm $0x7FFFFFFF  }
0xf3: {  	_ =	shalt  }
tec
_tile_task_arg_handler_lowered:
.L_overlay_start_1:
0x0: {  	(tag) =	ssettag $0x1  }
0x1: {  	s0 =	rddreg [dreg:$0x0]  }
0x2: {  	s1 =	rddreg [dreg:$0x1]  }
0x3: {  	s2 =	rddreg [dreg:$0x2]  }
0x4: {  	s3 =	rddreg [dreg:$0x3]  }
0x5: {  	s4 =	rddreg [dreg:$0x4]  }
0x6: {  	s5 =	rddreg [dreg:$0x5]  }
0x7: {  	s6 =	rddreg [dreg:$0x6]  }
0x8: {  	s7 =	rddreg [dreg:$0x7]  }
0x9: {  	s8 =	rddreg [dreg:$0x8]  }
0xa: {  	s9 =	rddreg [dreg:$0x9]  }
0xb: {  	s10 =	rddreg [dreg:$0xa]  }
0xc: {  	s11 =	rddreg [dreg:$0xb]  }
0xd: {  	s12 =	rddreg [dreg:$0xc]  }
0xe: {  	s13 =	rddreg [dreg:$0xd]  }
0xf: {  	[smem:s0] =	sst s1  }
0x10: {  	[smem:s0+$0x1] =	sst s2  }
0x11: {  	[smem:s0+$0x2] =	sst s3  }
0x12: {  	[smem:s0+$0x3] =	sst s4  }
0x13: {  	[smem:s0+$0x4] =	sst s5  }
0x14: {  	[smem:s0+$0x5] =	sst s6  }
0x15: {  	[smem:s0+$0x6] =	sst s7  }
0x16: {  	[smem:s0+$0x7] =	sst s8  }
0x17: {  	[smem:s0+$0x8] =	sst s9  }
0x18: {  	[smem:s0+$0x9] =	sst s10  }
0x19: {  	[smem:s0+$0xA] =	sst s11  }
0x1a: {  	[smem:s0+$0xB] =	sst s12  }
0x1b: {  	[smem:s0+$0xC] =	sst s13;
	_ =	shalt  }
.Lfunc_end2:
execute0_lowered:
.L_overlay_start_2:
0x1c: {  	(tag) =	ssettag $0x2  }
0x1d: {  	s1 =	rddreg [dreg:$0x0]  }
0x1e: {  	s2 =	rddreg [dreg:$0x1]  }
0x1f: {  	s3 =	rddreg [dreg:$0x2]  }
0x20: {  	s4 =	rddreg [dreg:$0x3]  }
0x21: {  	s5 =	rddreg [dreg:$0x4]  }
0x22: {  	s6 =	rddreg [dreg:$0x5]  }
0x23: {  	s7 =	rddreg [dreg:$0x6]  }
0x24: {  	s8 =	rddreg [dreg:$0x7]  }
0x25: {  	s9 =	rddreg [dreg:$0x8]  }
0x26: {  	s10 =	rddreg [dreg:$0x9]  }
0x27: {  	s11 =	rddreg [dreg:$0xa]  }
0x28: {  	s12 =	rddreg [dreg:$0xb]  }
0x29: {  	s13 =	rddreg [dreg:$0xc]  }
0x2a: {  	s14 =	rddreg [dreg:$0xd];
	s0 =	simm.s32 $0x0  }
0x2b: {  	[smem:$0x7FF] =	sst s0  }
0x2c: {  	s18 =	srdreg.scid;
	s15 =	sld [smem:$0x0]  }
0x2d: {  	s20 =	stileid.u32;
	s16 =	sld [smem:$0x1]  }
0x2e: {  	s18 =	sand.u32 $0x1, s18;
	s20 =	sshll.u32 s20, $0x1;
	s17 =	sld [smem:$0x2]  }
0x2f: {  	s20 =	sor.u32 s18, s20;
	s22 =	sld [smem:$0x5]  }
0x30: {  	s19 =	sld [smem:$0x3];
	s24 =	smul.u32 $0x320, s20  }
0x31: {  	s21 =	sld [smem:$0x4]  }
0x32: {  	[dreg:$0xe] =	wrdreg s22;
	s3 =	sadd.s32 s3, s24  }
0x33: {  	s26 =	sadd.s32 s4, s24;
	_ =	strace $0x80000047;
	[dreg:$0xf] =	wrdreg s3  }
0x34: {  	s28 =	sadd.s32 $0x3D4C00, s9;
	s25 =	sshll.u32 s20, $0x4;
	[dreg:$0x10] =	wrdreg s26  }
0x35: {  	s18 =	ssub.s32 $0x2, s18;
	s1 =	sadd.s32 s1, s25;
	[dreg:$0x11] =	wrdreg s28  }
0x36: {  	s23 =	sshrl.u32 s18, $0x1;
	s2 =	sadd.s32 s2, s25;
	[dreg:$0x12] =	wrdreg s1  }
0x37: {  	s18 =	ssub.s32 s18, s23;
	s4 =	sadd.s32 s6, s25;
	[dreg:$0x13] =	wrdreg s2  }
0x38: {  	s10 =	sadd.s32 s10, s25;
	s6 =	sadd.s32 s8, s25;
	[dreg:$0x15] =	wrdreg s4  }
0x39: {  	s8 =	sadd.s32 s13, s25;
	s13 =	sadd.s32 s14, s25;
	[dreg:$0x17] =	wrdreg s6  }
0x3a: {  	s14 =	sadd.s32 s15, s25;
	s15 =	sadd.s32 s19, s25;
	[dreg:$0x19] =	wrdreg s8  }
0x3b: {  	s19 =	sadd.s32 s21, s25;
	s21 =	sadd.s32 $0x311600, s9;
	[dreg:$0x1a] =	wrdreg s10  }
0x3c: {  	s22 =	sshll.u32 s20, $0xA;
	s31 =	smax.u32 s18, $0x1;
	[dreg:$0x1c] =	wrdreg s13  }
0x3d: {  	s18 =	simm.s32 $0x1;
	s20 =	simm.s32 $0xF610;
	[dreg:$0x1d] =	wrdreg s14  }
0x3e: {  	s3 =	sadd.s32 s5, s25;
	s5 =	sadd.s32 s7, s25;
	[dreg:$0x1e] =	wrdreg s15  }
0x3f: {  	s7 =	sadd.s32 s12, s25;
	s12 =	sadd.s32 s11, s25;
	[dreg:$0x1f] =	wrdreg s19  }
0x40: {  	[smem:$0x7F8] =	sst s21;
	s23 =	sadd.s32 s16, s22;
	s24 =	sadd.s32 s17, s22  }
0x41: {  	s1 =	sadd.s32 s22, s9;
	s25 =	sadd.s32 $0x7000, s9;
	[dreg:$0x14] =	wrdreg s3  }
0x42: {  	s26 =	sadd.s32 $0x3E00, s9;
	s28 =	sadd.s32 $0xA200, s9;
	[dreg:$0x16] =	wrdreg s5  }
0x43: {  	s2 =	simm.s32 $0x80;
	s6 =	simm.s32 $0x5510;
	[dreg:$0x18] =	wrdreg s7  }
0x44: {  	s8 =	simm.s32 $0x9510;
	s10 =	simm.s32 $0xD510;
	[dreg:$0x1b] =	wrdreg s12  }
0x45: {  	s11 =	simm.s32 $0xD590;
	s13 =	simm.s32 $0x17610;
	[smem:$0x7F9] =	sst s23  }
0x46: {  	s14 =	simm.s32 $0x2;
	s15 =	simm.s32 $0x4;
	[smem:$0x7FA] =	sst s24  }
0x47: {  	s16 =	simm.s32 $0x3;
	s17 =	simm.s32 $0x5;
	[smem:$0x7FB] =	sst s25  }
0x48: {  	s19 =	simm.s32 $0xD610;
	s21 =	simm.s32 $0x0;
	[smem:$0x7FC] =	sst s26  }
0x49: {  	s23 =	sadd.s32 $0x24E000, s9;
	s24 =	sadd.s32 $0x18AA00, s9;
	[smem:$0x7FD] =	sst s28  }
0x4a: {  	s29 =	sadd.s32 $0x12400, s1;
	s30 =	sadd.s32 $0xA400, s1;
	s1 =	simm.s32 $0x6  }
0x4b: {  	v1 =	vlaneseq.u32;
	s3 =	simm.s32 $0x100;
	s25 =	simm.s32 $0x1A00;
	s5 =	simm.s32 $0x3510  }
0x4c: {  	v0 =	vimm.f32 $0.0e+00;
	v1 =	vmul.u32 $0x40, v1;
	s7 =	simm.s32 $0x7510;
	s9 =	simm.s32 $0xB510;
	s12 =	simm.s32 $0x13610  }
.LBB3_1:
0x4d: {  	s4 =	rddreg [dreg:$0x12]  }
0x4e: {  	[tilespmem:s0], [sflag:$0x6] =	stream.linear.gather [hbm4b:s4+s0], $0x80, $0x38;
	[tilespmem:$0x19910] =	vst v63  }
0x4f: {  	_ =	swait.ge [sflag:s1], $0x80  }
0x50: {  	[sflag:s1] =	ssyncset.done $0x0  }
0x51: {  	s28 =	rddreg [dreg:$0x13];
	[sflag:s1] =	ssyncadd.s32 $0xFFFFFF80  }
0x52: {  	[tilespmem:s2], [sflag:$0x6] =	stream.linear.gather [hbm4b:s28+s0], $0x80, $0x38;
	[tilespmem:$0x19910] =	vst v63  }
0x53: {  	_ =	swait.ge [sflag:s1], $0x80  }
0x54: {  	[sflag:s1] =	ssyncset.done $0x0  }
0x55: {  	s22 =	rddreg [dreg:$0xf];
	[sflag:s1] =	ssyncadd.s32 $0xFFFFFF80  }
0x56: {  	[tilespmem:s3], [sflag:$0x6] =	stream.linear.gather [hbm4b:s22+s0], $0x1900, $0x38;
	[tilespmem:$0x19910] =	vst v63  }
0x57: {  	_ =	swait.ge [sflag:s1], $0x1900  }
0x58: {  	[sflag:s1] =	ssyncset.done $0x0  }
0x59: {  	s26 =	rddreg [dreg:$0x10];
	[sflag:s1] =	ssyncadd.s32 $0xFFFFE700  }
0x5a: {  	[tilespmem:s25], [sflag:$0x6] =	stream.linear.gather [hbm4b:s26+s0], $0x1900, $0x38;
	[tilespmem:$0x19910] =	vst v63  }
0x5b: {  	_ =	swait.ge [sflag:s1], $0x1900  }
0x5c: {  	[sflag:s1] =	ssyncset.done $0x0  }
0x5d: {  	s22 =	simm.s32 $0x3300;
	s28 =	rddreg [dreg:$0x14];
	[sflag:s1] =	ssyncadd.s32 $0xFFFFE700  }
0x5e: {  	[tilespmem:s22], [sflag:$0x6] =	stream.linear.gather [hbm4b:s28+s0], $0x80, $0x38;
	[tilespmem:$0x19910] =	vst v63  }
0x5f: {  	_ =	swait.ge [sflag:s1], $0x80  }
0x60: {  	[sflag:s1] =	ssyncset.done $0x0  }
0x61: {  	s28 =	simm.s32 $0x3380;
	s26 =	rddreg [dreg:$0x15];
	[sflag:s1] =	ssyncadd.s32 $0xFFFFFF80  }
0x62: {  	[tilespmem:s28], [sflag:$0x6] =	stream.linear.gather [hbm4b:s26+s0], $0x80, $0x38;
	[tilespmem:$0x19910] =	vst v63  }
0x63: {  	_ =	swait.ge [sflag:s1], $0x80  }
0x64: {  	[sflag:s1] =	ssyncset.done $0x0  }
0x65: {  	s28 =	simm.s32 $0x3400;
	s26 =	rddreg [dreg:$0x16];
	[sflag:s1] =	ssyncadd.s32 $0xFFFFFF80  }
0x66: {  	[tilespmem:s28], [sflag:$0x6] =	stream.linear.gather [hbm4b:s26+s0], $0x80, $0x38;
	[tilespmem:$0x19910] =	vst v63  }
0x67: {  	_ =	swait.ge [sflag:s1], $0x80  }
0x68: {  	[sflag:s1] =	ssyncset.done $0x0  }
0x69: {  	s28 =	simm.s32 $0x3480;
	s26 =	rddreg [dreg:$0x17];
	[sflag:s1] =	ssyncadd.s32 $0xFFFFFF80  }
0x6a: {  	[tilespmem:s28], [sflag:$0x6] =	stream.linear.gather [hbm4b:s26+s0], $0x80, $0x38;
	[tilespmem:$0x19910] =	vst v63  }
0x6b: {  	_ =	swait.ge [sflag:s1], $0x80  }
0x6c: {  	s22 =	sld [smem:$0x7FD]  }
0x6d: {  	[sflag:s1] =	ssyncset.done $0x0  }
0x6e: {  	s26 =	simm.s32 $0x3500;
	[sflag:s1] =	ssyncadd.s32 $0xFFFFFF80  }
0x6f: {  	[tilespmem:s26], [sflag:$0x6] =	stream.linear.gather [hbm4b:s22+s0], $0x10, $0x38;
	[tilespmem:$0x19910] =	vst v63  }
0x70: {  	_ =	swait.ge [sflag:s1], $0x10  }
0x71: {  	[sflag:s1] =	ssyncset.done $0x0;
	s28 =	rddreg [dreg:$0x11]  }
0x72: {  	s22 =	sld [smem:$0x7F8];
	[sflag:s1] =	ssyncadd.s32 $0xFFFFFFF0  }
0x73: {  	[tilespmem:s5], [sflag:$0x1] =	stream.indirect.gather [hbm4b:s28+s2], $0x40, s0, s2, $0xb8;
	[tilespmem:$0x19910] =	vst v63  }
0x74: {  	_ = 	snop  }
0x75: {  	[tilespmem:s6], [sflag:$0x1] =	stream.indirect.gather [hbm4b:s22+s2], $0x40, s2, s2, $0xb8;
	[tilespmem:$0x19910] =	vst v63  }
0x76: {  	_ = 	snop  }
0x77: {  	[tilespmem:s7], [sflag:$0x1] =	stream.indirect.gather [hbm4b:s23+s2], $0x40, s0, s2, $0xb8;
	[tilespmem:$0x19910] =	vst v63  }
0x78: {  	_ = 	snop  }
0x79: {  	[tilespmem:s8], [sflag:$0x1] =	stream.indirect.gather [hbm4b:s24+s2], $0x40, s2, s2, $0xb8;
	[tilespmem:$0x19910] =	vst v63  }
0x7a: {  	s26 =	sld [smem:$0x7FB]  }
0x7b: {  	[tilespmem:s9], [sflag:$0x1] =	stream.indirect.gather [hbm4b:s23+s2], $0x40, s3, s2, $0xb8;
	[tilespmem:$0x19910] =	vst v63  }
0x7c: {  	s28 =	sld [smem:$0x7FC]  }
0x7d: {  	[tilespmem:s10], [sflag:$0x1] =	stream.indirect.gather [hbm4b:s26+s2], $0x1, s0, s2, $0xb8;
	[tilespmem:$0x19910] =	vst v63  }
0x7e: {  	s4 =	simm.s32 $0x0;
	s22 =	simm.s32 $0x100  }
0x7f: {  	[tilespmem:s11], [sflag:$0x1] =	stream.indirect.gather [hbm4b:s28+s2], $0x1, s2, s2, $0xb8;
	[tilespmem:$0x19910] =	vst v63  }
.LBB3_2:
0x80: {  	p0 =	sne.s32 s22, $0x7F00;
	[tilespmem:s4+$0xF640] =	vst v0  }
0x81: {  	[tilespmem:s4+$0xD610] =	vst v0  }
0x82: {  	[tilespmem:s4+$0xF610] =	vst v0  }
.Ltmp0:
0x83: {  	[tilespmem:s4+$0xD620] =	vst v0;
	(pc) =	sbr.rel @p0 .LBB3_2-.Ltmp0, $4  }
0x84: {  	[tilespmem:s4+$0xF620] =	vst v0  }
0x85: {  	[tilespmem:s4+$0xD630] =	vst v0  }
0x86: {  	[tilespmem:s4+$0xF630] =	vst v0  }
0x87: {  	[tilespmem:s4+$0xD640] =	vst v0;
	s4 =	sshra.s32 s22, $0x2;
	s22 =	sadd.s32 $0x100, s22  }
0x88: {  	[tilespmem:s4+$0xF640] =	vst v0  }
0x89: {  	[tilespmem:s4+$0xD610] =	vst v0  }
0x8a: {  	[tilespmem:s4+$0xF610] =	vst v0  }
0x8b: {  	[tilespmem:s4+$0xD620] =	vst v0  }
0x8c: {  	[tilespmem:s4+$0xF620] =	vst v0  }
0x8d: {  	[tilespmem:s4+$0xD630] =	vst v0  }
0x8e: {  	[tilespmem:s4+$0xF630] =	vst v0  }
0x8f: {  	[tilespmem:s4+$0xD640] =	vst v0;
	s26 =	simm.s32 $0x11610  }
0x90: {  	[tilespmem:s26], [sflag:$0x2] =	stream.indirect.gather [hbm4b:s23+s2], $0x40, s3, s2, $0xb8;
	[tilespmem:$0x19910] =	vst v63  }
0x91: {  	s28 =	simm.s32 $0x15610;
	s22 =	simm.s32 $0x0  }
0x92: {  	[tilespmem:s28], [sflag:$0x4] =	stream.indirect.gather [hbm4b:s24+s2], $0x40, s25, s2, $0xb8;
	[tilespmem:$0x19910] =	vst v63  }
.LBB3_4:
0x93: {  	s4 =	sshll.u32 s22, $0x8  }
0x94: {  	s25 =	sadd.s32 $0x180, s4  }
0x95: {  	[tilespmem:s12], [sflag:$0x3] =	stream.indirect.gather [hbm4b:s23+s2], $0x40, s25, s2, $0xb8;
	[tilespmem:$0x19910] =	vst v63  }
0x96: {  	s26 =	sadd.s32 $0x1A80, s4  }
0x97: {  	[tilespmem:s13], [sflag:$0x5] =	stream.indirect.gather [hbm4b:s24+s2], $0x40, s26, s2, $0xb8;
	[tilespmem:$0x19910] =	vst v63  }
0x98: {  	_ =	swait.ge [sflag:s14], $0x2000  }
0x99: {  	[sflag:s14] =	ssyncset.done $0x0  }
0x9a: {  	[sflag:s14] =	ssyncadd.s32 $0xFFFFE000  }
0x9b: {  	_ =	swait.ge [sflag:s15], $0x2000  }
0x9c: {  	[sflag:s15] =	ssyncset.done $0x0  }
0x9d: {  	s25 =	simm.s32 $0x0;
	[sflag:s15] =	ssyncadd.s32 $0xFFFFE000  }
0x9e: {  	v3 =	vld [tilespmem:s25+$0x11640]  }
0x9f: {  	v4 =	vld [tilespmem:s25+$0x11610]  }
0xa0: {  	v5 =	vld [tilespmem:s25+$0x11620]  }
0xa1: {  	v2 =	vld [tilespmem:s25+$0x11630];
	_ =	sdelay $0x1  }
0xa2: {  	[tilespmem:s25+$0xD640] =	vst.add.f32.msk $0xffff, v3  }
0xa3: {  	[tilespmem:s25+$0xD610] =	vst.add.f32.msk $0xffff, v4  }
0xa4: {  	s28 =	simm.s32 $0x200;
	s26 =	simm.s32 $0x40;
	[tilespmem:s25+$0xD620] =	vst.add.f32.msk $0xffff, v5  }
.LBB3_5:
0xa5: {  	p0 =	sne.s32 s28, $0x7F00;
	v3 =	vld [tilespmem:s26+$0x11640];
	v4 =	vmov v2  }
0xa6: {  	v5 =	vld [tilespmem:s26+$0x11610]  }
0xa7: {  	v6 =	vld [tilespmem:s26+$0x11620]  }
.Ltmp1:
0xa8: {  	v2 =	vld [tilespmem:s26+$0x11630];
	(pc) =	sbr.rel @p0 .LBB3_5-.Ltmp1, $4  }
0xa9: {  	[tilespmem:s25+$0xD630] =	vst.add.f32.msk $0xffff, v4;
	s25 =	smov.u32 s26  }
0xaa: {  	[tilespmem:s25+$0xD640] =	vst.add.f32.msk $0xffff, v3  }
0xab: {  	[tilespmem:s25+$0xD610] =	vst.add.f32.msk $0xffff, v5  }
0xac: {  	s26 =	sshra.s32 s28, $0x2;
	s28 =	sadd.s32 $0x100, s28;
	[tilespmem:s25+$0xD620] =	vst.add.f32.msk $0xffff, v6  }
0xad: {  	v3 =	vld [tilespmem:s26+$0x11640]  }
0xae: {  	v4 =	vld [tilespmem:s26+$0x11610]  }
0xaf: {  	v5 =	vld [tilespmem:s26+$0x11620]  }
0xb0: {  	v6 =	vld [tilespmem:s26+$0x11630]  }
0xb1: {  	[tilespmem:s25+$0xD630] =	vst.add.f32.msk $0xffff, v2  }
0xb2: {  	[tilespmem:s26+$0xD640] =	vst.add.f32.msk $0xffff, v3  }
0xb3: {  	[tilespmem:s26+$0xD610] =	vst.add.f32.msk $0xffff, v4  }
0xb4: {  	[tilespmem:s26+$0xD620] =	vst.add.f32.msk $0xffff, v5  }
0xb5: {  	s25 =	simm.s32 $0x0;
	[tilespmem:s26+$0xD630] =	vst.add.f32.msk $0xffff, v6  }
0xb6: {  	v3 =	vld [tilespmem:s25+$0x15640]  }
0xb7: {  	v4 =	vld [tilespmem:s25+$0x15610]  }
0xb8: {  	v5 =	vld [tilespmem:s25+$0x15620]  }
0xb9: {  	v2 =	vld [tilespmem:s25+$0x15630];
	_ =	sdelay $0x1  }
0xba: {  	[tilespmem:s25+$0xF640] =	vst.add.f32.msk $0xffff, v3  }
0xbb: {  	[tilespmem:s25+$0xF610] =	vst.add.f32.msk $0xffff, v4  }
0xbc: {  	s28 =	simm.s32 $0x200;
	s26 =	simm.s32 $0x40;
	[tilespmem:s25+$0xF620] =	vst.add.f32.msk $0xffff, v5  }
.LBB3_7:
0xbd: {  	p0 =	sne.s32 s28, $0x7F00;
	v3 =	vld [tilespmem:s26+$0x15640];
	v4 =	vmov v2  }
0xbe: {  	v5 =	vld [tilespmem:s26+$0x15610]  }
0xbf: {  	v6 =	vld [tilespmem:s26+$0x15620]  }
.Ltmp2:
0xc0: {  	v2 =	vld [tilespmem:s26+$0x15630];
	(pc) =	sbr.rel @p0 .LBB3_7-.Ltmp2, $4  }
0xc1: {  	[tilespmem:s25+$0xF630] =	vst.add.f32.msk $0xffff, v4;
	s25 =	smov.u32 s26  }
0xc2: {  	[tilespmem:s25+$0xF640] =	vst.add.f32.msk $0xffff, v3  }
0xc3: {  	[tilespmem:s25+$0xF610] =	vst.add.f32.msk $0xffff, v5  }
0xc4: {  	s26 =	sshra.s32 s28, $0x2;
	s28 =	sadd.s32 $0x100, s28;
	[tilespmem:s25+$0xF620] =	vst.add.f32.msk $0xffff, v6  }
0xc5: {  	v3 =	vld [tilespmem:s26+$0x15640]  }
0xc6: {  	v4 =	vld [tilespmem:s26+$0x15610]  }
0xc7: {  	v5 =	vld [tilespmem:s26+$0x15620]  }
0xc8: {  	v6 =	vld [tilespmem:s26+$0x15630]  }
0xc9: {  	[tilespmem:s25+$0xF630] =	vst.add.f32.msk $0xffff, v2  }
0xca: {  	[tilespmem:s26+$0xF640] =	vst.add.f32.msk $0xffff, v3  }
0xcb: {  	[tilespmem:s26+$0xF610] =	vst.add.f32.msk $0xffff, v4  }
0xcc: {  	p0 =	seq.s32 s22, $0x18;
	[tilespmem:s26+$0xF620] =	vst.add.f32.msk $0xffff, v5  }
0xcd: {  	s25 =	sadd.s32 @!p0 $0x200, s4;
	s28 =	simm.s32 @!p0 $0x11610;
	[tilespmem:s26+$0xF630] =	vst.add.f32.msk $0xffff, v6;
	s26 =	simm.s32 @!p0 $0x80  }
0xce: {  	[tilespmem:s28], [sflag:$0x2] =	stream.indirect.gather @!p0 [hbm4b:s23+s26], $0x40, s25, s26, $0xb8;
	[tilespmem:$0x19910] =	vst v63  }
0xcf: {  	s4 =	sadd.s32 @!p0 $0x1B00, s4;
	s25 =	simm.s32 @!p0 $0x15610  }
0xd0: {  	[tilespmem:s25], [sflag:$0x4] =	stream.indirect.gather @!p0 [hbm4b:s24+s26], $0x40, s4, s26, $0xb8;
	[tilespmem:$0x19910] =	vst v63  }
0xd1: {  	_ =	swait.ge [sflag:s16], $0x2000  }
0xd2: {  	[sflag:s16] =	ssyncset.done $0x0  }
0xd3: {  	[sflag:s16] =	ssyncadd.s32 $0xFFFFE000  }
0xd4: {  	_ =	swait.ge [sflag:s17], $0x2000  }
0xd5: {  	[sflag:s17] =	ssyncset.done $0x0  }
0xd6: {  	s4 =	simm.s32 $0x0;
	[sflag:s17] =	ssyncadd.s32 $0xFFFFE000  }
0xd7: {  	v3 =	vld [tilespmem:s4+$0x13640]  }
0xd8: {  	v62 =	vld [tilespmem:s4+$0x13610]  }
0xd9: {  	v63 =	vld [tilespmem:s4+$0x13620]  }
0xda: {  	v2 =	vld [tilespmem:s4+$0x13630];
	_ =	sdelay $0x1  }
0xdb: {  	[tilespmem:s4+$0xD640] =	vst.add.f32.msk $0xffff, v3  }
0xdc: {  	[tilespmem:s4+$0xD610] =	vst.add.f32.msk $0xffff, v62  }
0xdd: {  	s28 =	simm.s32 $0x200;
	s25 =	simm.s32 $0x40;
	s26 =	simm.s32 $0x0;
	[tilespmem:s4+$0xD620] =	vst.add.f32.msk $0xffff, v63  }
.LBB3_9:
0xde: {  	p0 =	sne.s32 s28, $0x7F00;
	v3 =	vld [tilespmem:s25+$0x13640];
	v4 =	vmov v2  }
0xdf: {  	v5 =	vld [tilespmem:s25+$0x13610]  }
0xe0: {  	v6 =	vld [tilespmem:s25+$0x13620]  }
.Ltmp3:
0xe1: {  	v2 =	vld [tilespmem:s25+$0x13630];
	(pc) =	sbr.rel @p0 .LBB3_9-.Ltmp3, $4  }
0xe2: {  	[tilespmem:s26+$0xD630] =	vst.add.f32.msk $0xffff, v4;
	s26 =	smov.u32 s25  }
0xe3: {  	[tilespmem:s26+$0xD640] =	vst.add.f32.msk $0xffff, v3  }
0xe4: {  	[tilespmem:s26+$0xD610] =	vst.add.f32.msk $0xffff, v5  }
0xe5: {  	s25 =	sshra.s32 s28, $0x2;
	s28 =	sadd.s32 $0x100, s28;
	[tilespmem:s26+$0xD620] =	vst.add.f32.msk $0xffff, v6  }
0xe6: {  	v3 =	vld [tilespmem:s25+$0x13640]  }
0xe7: {  	v4 =	vld [tilespmem:s25+$0x13610]  }
0xe8: {  	v5 =	vld [tilespmem:s25+$0x13620]  }
0xe9: {  	v6 =	vld [tilespmem:s25+$0x13630]  }
0xea: {  	[tilespmem:s26+$0xD630] =	vst.add.f32.msk $0xffff, v2  }
0xeb: {  	[tilespmem:s25+$0xD640] =	vst.add.f32.msk $0xffff, v3  }
0xec: {  	[tilespmem:s25+$0xD610] =	vst.add.f32.msk $0xffff, v4  }
0xed: {  	[tilespmem:s25+$0xD620] =	vst.add.f32.msk $0xffff, v5  }
0xee: {  	[tilespmem:s25+$0xD630] =	vst.add.f32.msk $0xffff, v6  }
0xef: {  	v3 =	vld [tilespmem:s4+$0x17640]  }
0xf0: {  	v4 =	vld [tilespmem:s4+$0x17610]  }
0xf1: {  	v5 =	vld [tilespmem:s4+$0x17620]  }
0xf2: {  	v2 =	vld [tilespmem:s4+$0x17630];
	_ =	sdelay $0x1  }
0xf3: {  	[tilespmem:s4+$0xF640] =	vst.add.f32.msk $0xffff, v3  }
0xf4: {  	[tilespmem:s4+$0xF610] =	vst.add.f32.msk $0xffff, v4  }
0xf5: {  	s26 =	simm.s32 $0x200;
	s25 =	simm.s32 $0x40;
	[tilespmem:s4+$0xF620] =	vst.add.f32.msk $0xffff, v5  }
.LBB3_11:
0xf6: {  	p0 =	sne.s32 s26, $0x7F00;
	v3 =	vld [tilespmem:s25+$0x17640];
	v4 =	vmov v2  }
0xf7: {  	v5 =	vld [tilespmem:s25+$0x17610]  }
0xf8: {  	v6 =	vld [tilespmem:s25+$0x17620]  }
.Ltmp4:
0xf9: {  	v2 =	vld [tilespmem:s25+$0x17630];
	(pc) =	sbr.rel @p0 .LBB3_11-.Ltmp4, $4  }
0xfa: {  	[tilespmem:s4+$0xF630] =	vst.add.f32.msk $0xffff, v4;
	s4 =	smov.u32 s25  }
0xfb: {  	[tilespmem:s4+$0xF640] =	vst.add.f32.msk $0xffff, v3  }
0xfc: {  	[tilespmem:s4+$0xF610] =	vst.add.f32.msk $0xffff, v5  }
0xfd: {  	s25 =	sshra.s32 s26, $0x2;
	s26 =	sadd.s32 $0x100, s26;
	[tilespmem:s4+$0xF620] =	vst.add.f32.msk $0xffff, v6  }
0xfe: {  	v3 =	vld [tilespmem:s25+$0x17640]  }
0xff: {  	v4 =	vld [tilespmem:s25+$0x17610]  }
0x100: {  	v5 =	vld [tilespmem:s25+$0x17620];
	s22 =	sadd.s32 $0x1, s22  }
0x101: {  	v6 =	vld [tilespmem:s25+$0x17630];
	p0 =	sne.s32 s22, $0x19  }
.Ltmp5:
0x102: {  	[tilespmem:s4+$0xF630] =	vst.add.f32.msk $0xffff, v2;
	(pc) =	sbr.rel @p0 .LBB3_4-.Ltmp5, $4  }
0x103: {  	[tilespmem:s25+$0xF640] =	vst.add.f32.msk $0xffff, v3  }
0x104: {  	[tilespmem:s25+$0xF610] =	vst.add.f32.msk $0xffff, v4  }
0x105: {  	[tilespmem:s25+$0xF620] =	vst.add.f32.msk $0xffff, v5  }
0x106: {  	[tilespmem:s25+$0xF630] =	vst.add.f32.msk $0xffff, v6  }
0x107: {  	_ =	swait.ge [sflag:s18], $0x2000  }
0x108: {  	[sflag:s18] =	ssyncset.done $0x0  }
0x109: {  	[sflag:s18] =	ssyncadd.s32 $0xFFFFE000  }
0x10a: {  	_ =	swait.ge [sflag:s18], $0x2000  }
0x10b: {  	[sflag:s18] =	ssyncset.done $0x0  }
0x10c: {  	[sflag:s18] =	ssyncadd.s32 $0xFFFFE000  }
0x10d: {  	_ =	swait.ge [sflag:s18], $0x2000  }
0x10e: {  	[sflag:s18] =	ssyncset.done $0x0  }
0x10f: {  	[sflag:s18] =	ssyncadd.s32 $0xFFFFE000  }
0x110: {  	_ =	swait.ge [sflag:s18], $0x2000  }
0x111: {  	[sflag:s18] =	ssyncset.done $0x0  }
0x112: {  	[sflag:s18] =	ssyncadd.s32 $0xFFFFE000  }
0x113: {  	_ =	swait.ge [sflag:s18], $0x2000  }
0x114: {  	[sflag:s18] =	ssyncset.done $0x0  }
0x115: {  	[sflag:s18] =	ssyncadd.s32 $0xFFFFE000  }
0x116: {  	_ =	swait.ge [sflag:s18], $0x80  }
0x117: {  	[sflag:s18] =	ssyncset.done $0x0  }
0x118: {  	[sflag:s18] =	ssyncadd.s32 $0xFFFFFF80  }
0x119: {  	_ =	swait.ge [sflag:s18], $0x80  }
0x11a: {  	s4 =	sld [smem:$0x7F9]  }
0x11b: {  	[sflag:s18] =	ssyncset.done $0x0  }
0x11c: {  	s22 =	simm.s32 $0x0;
	[sflag:s18] =	ssyncadd.s32 $0xFFFFFF80  }
0x11d: {  	[hbm4b:s4+s22] =	stream.linear.scatter [tilespmem:s5], [sflag:$0x6], $0x2000, $0x38;
	[tilespmem:$0x19910] =	vst v63  }
0x11e: {  	_ =	swait.ge [sflag:s1], $0x2000  }
0x11f: {  	s25 =	sld [smem:$0x7FA]  }
0x120: {  	[sflag:s1] =	ssyncset.done $0x0  }
0x121: {  	[sflag:s1] =	ssyncadd.s32 $0xFFFFE000  }
0x122: {  	[hbm4b:s25+s22] =	stream.linear.scatter [tilespmem:s6], [sflag:$0x6], $0x2000, $0x38;
	[tilespmem:$0x19910] =	vst v63  }
0x123: {  	_ =	swait.ge [sflag:s1], $0x2000  }
0x124: {  	[sflag:s1] =	ssyncset.done $0x0  }
0x125: {  	[sflag:s1] =	ssyncadd.s32 $0xFFFFE000  }
0x126: {  	[hbm4b:s29+s22] =	stream.linear.scatter [tilespmem:s7], [sflag:$0x6], $0x2000, $0x38;
	[tilespmem:$0x19910] =	vst v63  }
0x127: {  	_ =	swait.ge [sflag:s1], $0x2000  }
0x128: {  	[sflag:s1] =	ssyncset.done $0x0  }
0x129: {  	[sflag:s1] =	ssyncadd.s32 $0xFFFFE000  }
0x12a: {  	[hbm4b:s30+s22] =	stream.linear.scatter [tilespmem:s8], [sflag:$0x6], $0x2000, $0x38;
	[tilespmem:$0x19910] =	vst v63  }
0x12b: {  	_ =	swait.ge [sflag:s1], $0x2000  }
0x12c: {  	[sflag:s1] =	ssyncset.done $0x0  }
0x12d: {  	s26 =	rddreg [dreg:$0x18];
	[sflag:s1] =	ssyncadd.s32 $0xFFFFE000  }
0x12e: {  	[hbm4b:s26+s22] =	stream.linear.scatter [tilespmem:s10], [sflag:$0x6], $0x80, $0x38;
	[tilespmem:$0x19910] =	vst v63  }
0x12f: {  	_ =	swait.ge [sflag:s1], $0x80  }
0x130: {  	[sflag:s1] =	ssyncset.done $0x0  }
0x131: {  	s28 =	rddreg [dreg:$0x19];
	[sflag:s1] =	ssyncadd.s32 $0xFFFFFF80  }
0x132: {  	[hbm4b:s28+s22] =	stream.linear.scatter [tilespmem:s11], [sflag:$0x6], $0x80, $0x38;
	[tilespmem:$0x19910] =	vst v63  }
0x133: {  	_ =	swait.ge [sflag:s1], $0x80  }
0x134: {  	[sflag:s1] =	ssyncset.done $0x0  }
0x135: {  	[sflag:s1] =	ssyncadd.s32 $0xFFFFFF80  }
0x136: {  	s4 =	simm.s32 $0x0;
	v2 =	vld [tilespmem:$0x3500]  }
.LBB3_14:
0x137: {  	s25 =	sshll.u32 s4, $0x4  }
0x138: {  	v3 =	vld [tilespmem:s25+$0x3300]  }
0x139: {  	v4 =	vld [tilespmem:s25+$0x3380]  }
0x13a: {  	v5 =	vld [tilespmem:s25+$0x3400]  }
0x13b: {  	v6 =	vld [tilespmem:s25+$0x3480];
	_ =	sdelay $0x2  }
0x13c: {  	v3 =	vadd.f32 $9.999999930e-09, v3  }
0x13d: {  	v4 =	vadd.f32 $9.999999930e-09, v4  }
0x13e: {  	v5 =	vadd.f32 $9.999999930e-09, v5;
	v6 =	vadd.f32 $9.999999930e-09, v6;
	v7 =	vshra.s32 v3, $0x1  }
0x13f: {  	v3 =	vmul.f32 $5.000000000e-01, v3;
	v8 =	vshra.s32 v4, $0x1;
	v4 =	vmul.f32 $5.000000000e-01, v4  }
0x140: {  	v11 =	vshra.s32 v5, $0x1;
	v5 =	vmul.f32 $5.000000000e-01, v5;
	v7 =	vsub.s32 $0x5F3759DF, v7  }
0x141: {  	v12 =	vshra.s32 v6, $0x1;
	v8 =	vsub.s32 $0x5F3759DF, v8;
	v9 =	vmul.f32 v7, v3  }
0x142: {  	v6 =	vmul.f32 $5.000000000e-01, v6;
	v11 =	vsub.s32 $0x5F3759DF, v11;
	v10 =	vmul.f32 v8, v4  }
0x143: {  	v12 =	vsub.s32 $0x5F3759DF, v12;
	v13 =	vmul.f32 v11, v5;
	v9 =	vmul.f32 v7, v9  }
0x144: {  	v14 =	vmul.f32 v12, v6;
	v10 =	vmul.f32 v8, v10  }
0x145: {  	v13 =	vmul.f32 v11, v13;
	v9 =	vsub.f32 $1.500000000e+00, v9  }
0x146: {  	v14 =	vmul.f32 v12, v14;
	v10 =	vsub.f32 $1.500000000e+00, v10  }
0x147: {  	v7 =	vmul.f32 v7, v9;
	v9 =	vsub.f32 $1.500000000e+00, v13  }
0x148: {  	v8 =	vmul.f32 v8, v10;
	v10 =	vsub.f32 $1.500000000e+00, v14  }
0x149: {  	v13 =	vmul.f32 v7, v3;
	v9 =	vmul.f32 v11, v9  }
0x14a: {  	v11 =	vmul.f32 v8, v4;
	v10 =	vmul.f32 v12, v10  }
0x14b: {  	v12 =	vmul.f32 v13, v7;
	v13 =	vmul.f32 v9, v5  }
0x14c: {  	v11 =	vmul.f32 v11, v8;
	v14 =	vmul.f32 v10, v6  }
0x14d: {  	v12 =	vsub.f32 $1.500000000e+00, v12;
	v13 =	vmul.f32 v13, v9  }
0x14e: {  	v11 =	vsub.f32 $1.500000000e+00, v11;
	v14 =	vmul.f32 v14, v10  }
0x14f: {  	v7 =	vmul.f32 v12, v7;
	v12 =	vsub.f32 $1.500000000e+00, v13  }
0x150: {  	v8 =	vmul.f32 v11, v8;
	v11 =	vsub.f32 $1.500000000e+00, v14  }
0x151: {  	v3 =	vmul.f32 v7, v3;
	v9 =	vmul.f32 v12, v9  }
0x152: {  	v4 =	vmul.f32 v8, v4;
	v10 =	vmul.f32 v11, v10  }
0x153: {  	v11 =	vmov s25;
	v3 =	vmul.f32 v3, v7;
	v5 =	vmul.f32 v9, v5  }
0x154: {  	v12 =	vmov s22;
	v4 =	vmul.f32 v4, v8;
	v6 =	vmul.f32 v10, v6  }
0x155: {  	v11 =	vshll.u32 v11, $0x6;
	v3 =	vsub.f32 $1.500000000e+00, v3;
	v5 =	vmul.f32 v5, v9  }
0x156: {  	v12 =	vand.u32 $0x3F, v12;
	v4 =	vsub.f32 $1.500000000e+00, v4;
	v6 =	vmul.f32 v6, v10  }
0x157: {  	v12 =	vbroadcast v12, $0x0;
	v3 =	vmul.f32 v3, v7;
	v5 =	vsub.f32 $1.500000000e+00, v5  }
0x158: {  	v8 =	vmul.f32 v4, v8;
	v6 =	vsub.f32 $1.500000000e+00, v6;
	v7 =	vor.u32 v1, v11  }
0x159: {  	v4 =	vmin.f32 v3, $1.000000000e+00;
	v5 =	vmul.f32 v5, v9;
	v9 =	vor.u32 v7, v12  }
0x15a: {  	v3 =	vmin.f32 v8, $1.000000000e+00;
	v6 =	vmul.f32 v6, v10;
	[tilespmem:s25+$0x19610] =	vst v4  }
0x15b: {  	s26 =	simm.s32 $0x1;
	[tilespmem:s25+$0x19690] =	vst v3;
	v5 =	vmin.f32 v5, $1.000000000e+00  }
0x15c: {  	v8 =	vmov s26;
	v6 =	vmin.f32 v6, $1.000000000e+00;
	[tilespmem:s25+$0x19710] =	vst v5  }
0x15d: {  	v8 =	vand.u32 $0x3F, v8;
	[tilespmem:s25+$0x19790] =	vst v6  }
0x15e: {  	v5 =	vbroadcast v8, $0x0;
	v8 =	vld.idx.msk [tilespmem:v9+s20+$0x0], $0xffff;
	_ =	sdelay $0x3  }
0x15f: {  	v6 =	vor.u32 v7, v5;
	v11 =	vld.idx.msk [tilespmem:v9+s5+$0x0], $0xffff  }
0x160: {  	s28 =	simm.s32 $0x2;
	v16 =	vmul.f32 v8, v4  }
0x161: {  	v10 =	vmov s28;
	v13 =	vld.idx.msk [tilespmem:v9+s19+$0x0], $0xffff  }
0x162: {  	v10 =	vand.u32 $0x3F, v10;
	v5 =	vld.idx.msk [tilespmem:v9+s9+$0x0], $0xffff  }
0x163: {  	v10 =	vbroadcast v10, $0x0;
	v12 =	vld.idx.msk [tilespmem:v9+s6+$0x0], $0xffff  }
0x164: {  	v14 =	vld.idx.msk [tilespmem:v6+s20+$0x0], $0xffff;
	v17 =	vadd.f32 v16, v11;
	v16 =	vmov v6  }
0x165: {  	v10 =	vor.u32 v7, v10;
	v9 =	vld.idx.msk [tilespmem:v6+s5+$0x0], $0xffff  }
0x166: {  	s26 =	simm.s32 $0x3;
	v8 =	vimm.f32 $0.0e+00;
	v15 =	vld.idx.msk [tilespmem:v6+s19+$0x0], $0xffff;
	v18 =	vmul.f32 v13, v3;
	v13 =	vimm.f32 $0.0e+00  }
.LBB3_15:
0x167: {  	v19 =	vmov s26;
	p0 =	sne.s32 s26, $0x3F;
	s26 =	sadd.s32 $0x1, s26;
	v11 =	vmul.f32 v5, v11;
	v5 =	vld.idx.msk [tilespmem:v6+s9+$0x0], $0xffff;
	v6 =	vmovc v10;
	v20 =	vmov v10  }
.Ltmp6:
0x168: {  	v19 =	vand.u32 $0x3F, v19;
	v17 =	vadd.f32 v17, v18;
	(pc) =	sbr.rel @p0 .LBB3_15-.Ltmp6, $4  }
0x169: {  	v22 =	vmovc v12;
	v18 =	vbroadcast v19, $0x0;
	v8 =	vadd.f32 v11, v8;
	v12 =	vld.idx.msk [tilespmem:v16+s6+$0x0], $0xffff;
	v16 =	vmov v10  }
0x16a: {  	v19 =	vmul.f32 v14, v4;
	v14 =	vld.idx.msk [tilespmem:v10+s20+$0x0], $0xffff;
	v21 =	vmul.f32 v17, v22  }
0x16b: {  	v11 =	vmov v9;
	v9 =	vld.idx.msk [tilespmem:v10+s5+$0x0], $0xffff;
	v10 =	vor.u32 v7, v18  }
0x16c: {  	v18 =	vmul.f32 v15, v3;
	v17 =	vadd.f32 v19, v11;
	v15 =	vld.idx.msk [tilespmem:v20+s19+$0x0], $0xffff;
	v13 =	vadd.f32 v21, v13  }
0x16d: {  	_ =	sdelay $0x3  }
0x16e: {  	v7 =	vld.idx.msk [tilespmem:v10+s20+$0x0], $0xffff  }
0x16f: {  	v19 =	vld.idx.msk [tilespmem:v10+s5+$0x0], $0xffff  }
0x170: {  	v20 =	vld.idx.msk [tilespmem:v10+s19+$0x0], $0xffff  }
0x171: {  	v14 =	vmul.f32 v14, v4  }
0x172: {  	v16 =	vld.idx.msk [tilespmem:v16+s6+$0x0], $0xffff;
	v17 =	vadd.f32 v17, v18  }
0x173: {  	v55 =	vadd.f32 v14, v9;
	v56 =	vmul.f32 v15, v3;
	v54 =	vmul.f32 v7, v4  }
0x174: {  	v57 =	vld.idx.msk [tilespmem:v10+s6+$0x0], $0xffff;
	v12 =	vmul.f32 v17, v12  }
0x175: {  	v3 =	vmul.f32 v20, v3;
	v7 =	vadd.f32 v55, v56;
	v4 =	vadd.f32 v54, v19;
	_ =	sdelay $0x1  }
0x176: {  	v6 =	vld.idx.msk [tilespmem:v6+s9+$0x0], $0xffff;
	v12 =	vadd.f32 v12, v13;
	v7 =	vmul.f32 v7, v16;
	v3 =	vadd.f32 v4, v3  }
0x177: {  	v58 =	vld [tilespmem:s25+$0xD510]  }
0x178: {  	v60 =	vld.idx.msk [tilespmem:v10+s9+$0x0], $0xffff;
	v7 =	vadd.f32 v7, v12;
	v3 =	vmul.f32 v3, v57  }
0x179: {  	v59 =	vld [tilespmem:s25+$0xD590];
	v5 =	vmul.f32 v5, v11  }
0x17a: {  	v3 =	vadd.f32 v3, v7  }
0x17b: {  	v61 =	vadd.f32 v5, v8;
	v62 =	vmul.f32 v6, v9  }
0x17c: {  	s4 =	sadd.s32 $0x1, s4;
	v3 =	vadd.f32 v58, v3  }
0x17d: {  	p0 =	sne.s32 s4, $0x8;
	v63 =	vmul.f32 v60, v19;
	v4 =	vadd.f32 v62, v61  }
.Ltmp7:
0x17e: {  	v3 =	vadd.f32 v59, v3;
	(pc) =	sbr.rel @p0 .LBB3_14-.Ltmp7, $4  }
0x17f: {  	v4 =	vadd.f32 v63, v4  }
0x180: {  	v3 =	vadd.f32 v3, v2  }
0x181: {  	[tilespmem:s25+$0x19890] =	vst v4  }
0x182: {  	[tilespmem:s25+$0x19810] =	vst v3  }
0x183: {  	s4 =	rddreg [dreg:$0x1a];
	s22 =	simm.s32 $0x19810  }
0x184: {  	[hbm4b:s4+s0] =	stream.linear.scatter [tilespmem:s22], [sflag:$0x6], $0x80, $0x38;
	[tilespmem:$0x19910] =	vst v63  }
0x185: {  	_ =	swait.ge [sflag:s1], $0x80  }
0x186: {  	[sflag:s1] =	ssyncset.done $0x0  }
0x187: {  	s28 =	simm.s32 $0x19890;
	s26 =	rddreg [dreg:$0x1b];
	[sflag:s1] =	ssyncadd.s32 $0xFFFFFF80  }
0x188: {  	[hbm4b:s26+s0] =	stream.linear.scatter [tilespmem:s28], [sflag:$0x6], $0x80, $0x38;
	[tilespmem:$0x19910] =	vst v63  }
0x189: {  	_ =	swait.ge [sflag:s1], $0x80  }
0x18a: {  	[sflag:s1] =	ssyncset.done $0x0  }
0x18b: {  	s25 =	simm.s32 $0x19610;
	s22 =	rddreg [dreg:$0x1c];
	[sflag:s1] =	ssyncadd.s32 $0xFFFFFF80  }
0x18c: {  	[hbm4b:s22+s0] =	stream.linear.scatter [tilespmem:s25], [sflag:$0x6], $0x80, $0x38;
	[tilespmem:$0x19910] =	vst v63  }
0x18d: {  	_ =	swait.ge [sflag:s1], $0x80  }
0x18e: {  	[sflag:s1] =	ssyncset.done $0x0  }
0x18f: {  	s28 =	simm.s32 $0x19690;
	s26 =	rddreg [dreg:$0x1d];
	[sflag:s1] =	ssyncadd.s32 $0xFFFFFF80  }
0x190: {  	[hbm4b:s26+s0] =	stream.linear.scatter [tilespmem:s28], [sflag:$0x6], $0x80, $0x38;
	[tilespmem:$0x19910] =	vst v63  }
0x191: {  	_ =	swait.ge [sflag:s1], $0x80  }
0x192: {  	[sflag:s1] =	ssyncset.done $0x0  }
0x193: {  	s25 =	simm.s32 $0x19710;
	s22 =	rddreg [dreg:$0x1e];
	[sflag:s1] =	ssyncadd.s32 $0xFFFFFF80  }
0x194: {  	[hbm4b:s22+s0] =	stream.linear.scatter [tilespmem:s25], [sflag:$0x6], $0x80, $0x38;
	[tilespmem:$0x19910] =	vst v63  }
0x195: {  	s21 =	sadd.s32 $0x1, s21;
	_ =	swait.ge [sflag:s1], $0x80  }
0x196: {  	p0 =	sne.s32 s21, s31;
	s28 =	simm.s32 $0x19790;
	[sflag:s1] =	ssyncset.done $0x0  }
.Ltmp8:
0x197: {  	s26 =	rddreg [dreg:$0x1f];
	[sflag:s1] =	ssyncadd.s32 $0xFFFFFF80;
	(pc) =	sbr.rel @p0 .LBB3_1-.Ltmp8, $4  }
0x198: {  	[hbm4b:s26+s0] =	stream.linear.scatter [tilespmem:s28], [sflag:$0x6], $0x80, $0x38;
	[tilespmem:$0x19910] =	vst v63  }
0x199: {  	_ =	swait.ge [sflag:s1], $0x80  }
0x19a: {  	[sflag:s1] =	ssyncset.done $0x0  }
0x19b: {  	s25 =	simm.s32 $0x1A00;
	[sflag:s1] =	ssyncadd.s32 $0xFFFFFF80  }
0x19c: {  	_ =	sfence.sel $0x180000  }
0x19d: {  	[bflag:$0x0] =	sbarrier.arrive $0xFFFF  }
0x19e: {  	_ =	strace $0x90000047  }
0x19f: {  	s0 =	stileid.u32;
	[bflag:$0x2] =	sbarrier.arrive $0xFFFF  }
0x1a0: {  	p0 =	sne.s32 s0, $0x0;
	s0 =	rddreg [dreg:$0xe]  }
0x1a1: {  	s0 =	sadd.s32 @!p0 $0x100000, s0  }
0x1a2: {  	[sflag:s0] =	ssyncadd.tile.s32 @!p0 $0x1;
	_ =	shalt  }
.Lfunc_end3:
_tile_overlayer_lowered:
.L_overlay_start_3:
0x1a3: {  	(tag) =	ssettag $0x3  }
0x1a4: {  	s0 =	rddreg [dreg:$0x0];
	s2 =	stileid.u32  }
0x1a5: {  	s1 =	rddreg [dreg:$0x1];
	p0 =	sne.s32 s2, $0x0  }
0x1a6: {  	s3 =	rddreg [dreg:$0x2];
	[bflag:$0x3] =	sbarrier.arrive $0xFFFF;
	s2 =	simm.s32 @!p0 $0x1C06  }
0x1a7: {  	[timem:s3], [sflag:s2] =	dma.local @!p0 [hbm:s0], s1  }
0x1a8: {  	s0 =	simm.s32 @!p0 $0x6  }
0x1a9: {  	_ =	swait.ge @!p0 [sflag:s0], s1  }
0x1aa: {  	s1 =	ssub.s32 @!p0 $0x0, s1;
	[sflag:s0] =	ssyncset.done @!p0 $0x0  }
0x1ab: {  	[sflag:s0] =	ssyncadd.s32 @!p0 s1  }
0x1ac: {  	[bflag:$0x3] =	sbarrier.arrive $0xFFFF  }
0x1ad: {  	_ =	shalt  }

</sc_bundles>
